<compile_context>
chip_gen: v7x
topology: tpu7x:2x2x1
jax: 0.10.2.dev20260603
libtpu: 0.0.44.dev20260713+nightly
codegen_flags: <defaults>
</compile_context>

<pallas_src>
import numpy as np

import jax
import jax.numpy as jnp
from jax import lax
from jax.experimental import pallas as pl
from jax.experimental.pallas import tpu as pltpu
from jax.experimental.pallas import tpu_sc as plsc

N = 10000
E = 32000
D = 2560
H = 8
C = 320
HC = H * C
G = 8

NPAD = 10240
MBLK = 256
MMBLK = 512

B = 8
NB = N // B
NBP = NPAD // B
GSZ = 16
EP = E + GSZ * NB
EPG = EP // GSZ
NCHUNK = HC // 16
CP2 = C // 32

_p = np.arange(HC)
IPERM = ((_p // 32) * 32 + (_p % 2) * 16 + (_p % 32) // 2).astype(np.int32)
INV_IPERM = np.argsort(IPERM).astype(np.int32)

_ILV = plsc.PackFormat.INTERLEAVED



def _mm_body(x_ref, wl_ref, wr_ref, bl_ref, br_ref, xl_ref, xr_ref):
    x = x_ref[...]
    xl_ref[...] = (
        jax.lax.dot(x, wl_ref[...], preferred_element_type=jnp.float32)
        + bl_ref[...]
    ).astype(jnp.bfloat16)
    xr_ref[...] = (
        jax.lax.dot(x, wr_ref[...], preferred_element_type=jnp.float32)
        + br_ref[...]
    ).astype(jnp.bfloat16)


def _proj(x_bf16, wl, wr, bl, br):
    k = x_bf16.shape[1]
    return pl.pallas_call(
        _mm_body,
        grid=(NPAD // MMBLK,),
        in_specs=[
            pl.BlockSpec((MMBLK, k), lambda i: (i, 0)),
            pl.BlockSpec((k, HC), lambda i: (0, 0)),
            pl.BlockSpec((k, HC), lambda i: (0, 0)),
            pl.BlockSpec((1, HC), lambda i: (0, 0)),
            pl.BlockSpec((1, HC), lambda i: (0, 0)),
        ],
        out_specs=[
            pl.BlockSpec((MMBLK, HC), lambda i: (i, 0)),
            pl.BlockSpec((MMBLK, HC), lambda i: (i, 0)),
        ],
        out_shape=[
            jax.ShapeDtypeStruct((NPAD, HC), jnp.bfloat16),
            jax.ShapeDtypeStruct((NPAD, HC), jnp.bfloat16),
        ],
    )(x_bf16, wl, wr, bl[None, :], br[None, :])



def _sc_edge_body(xl_h, xr_h, pmeta_h, est2_h, wat_h, bias_h, out_h,
                  est_s, xr_s, acc_s, asum_s, rec_s, xlg_s, meta_s, stage_s,
                  wat_s, bias_s, gsem):
    ncores = 2
    nw = 32
    nbt = NBP // nw

    wid = lax.axis_index("s") * ncores + lax.axis_index("c")

    pltpu.sync_copy(est2_h, est_s)
    pltpu.sync_copy(wat_h, wat_s)
    pltpu.sync_copy(bias_h, bias_s)

    zero16 = jnp.zeros((16,), jnp.float32)
    zero32b = jnp.zeros((32,), jnp.bfloat16)

    def _zxr(j, _):
        xr_s[B, pl.ds(j * 32, 32)] = zero32b
        return 0
    lax.fori_loop(0, HC // 32, _zxr, 0)

    lane = lax.broadcasted_iota(jnp.int32, (GSZ,), 0)

    def block_body(bi, _):
        b = bi * nw + wid
        ev = est_s[b]
        p0 = ev[0]
        ngb = ev[1]
        realf = ev[2].astype(jnp.float32)
        gi0 = lax.shift_right_logical(p0, 4)
        n0 = b * B

        def _zacc(r, _):
            def _zc(k, __):
                acc_s[r, pl.ds(k * 16, 16)] = zero16
                return 0
            lax.fori_loop(0, NCHUNK, _zc, 0)
            asum_s[r] = zero16
            return 0
        lax.fori_loop(0, B + 1, _zacc, 0)

        pltpu.sync_copy(xr_h.at[pl.ds(n0, B)], xr_s.at[pl.ds(0, B)])

        @pl.when(ngb > 0)
        def _prol():
            pltpu.sync_copy(pmeta_h.at[gi0], meta_s.at[0])
            pltpu.async_copy(xl_h.at[meta_s.at[0, 0]], xlg_s.at[0], gsem)

        def group_body(g, _):
            par = lax.bitwise_and(g, 1)
            pltpu.make_async_copy(xl_h.at[meta_s.at[par, 0]],
                                  xlg_s.at[par], gsem).wait()

            @pl.when(g + 1 < ngb)
            def _prefetch():
                npar = lax.bitwise_and(g + 1, 1)
                pltpu.sync_copy(pmeta_h.at[gi0 + g + 1], meta_s.at[npar])
                pltpu.async_copy(xl_h.at[meta_s.at[npar, 0]],
                                 xlg_s.at[npar], gsem)

            def edge_body(i, _):
                iv = jnp.full((GSZ,), i, jnp.int32)
                dl = plsc.load_gather(meta_s.at[par, 1], [iv])[0]
                eab = plsc.bitcast(plsc.load_gather(meta_s.at[par, 2], [iv]),
                                   jnp.bfloat16)

                def _logit_term(o, accv):
                    z = (xlg_s[par, i, pl.ds(o, 32)]
                         + xr_s[dl, pl.ds(o, 32)]
                         + eab * wat_s[0, pl.ds(o, 32)])
                    z = jnp.maximum(z, 0.2 * z)
                    za, zb = plsc.unpack(z, format=_ILV)
                    aa, ab = plsc.unpack(wat_s[1, pl.ds(o, 32)], format=_ILV)
                    return accv + za * aa + zb * ab

                def _msg_term(o, ah):
                    la, lb = plsc.unpack(xlg_s[par, i, pl.ds(o, 32)],
                                         format=_ILV)
                    plsc.addupdate(acc_s.at[dl, pl.ds(o, 16)], ah * la)
                    plsc.addupdate(acc_s.at[dl, pl.ds(o + 16, 16)], ah * lb)

                def _exp16(accv):
                    return jnp.exp(jnp.full((GSZ,), jnp.sum(accv),
                                            jnp.float32))[0]

                acc0 = lax.fori_loop(
                    0, CP2, lambda j, a: _logit_term(j * 32, a), zero16)
                ah0 = _exp16(acc0)

                def chain(h, ahp):
                    hoff = h * C

                    def _f(j, accv):
                        _msg_term(hoff - C + j * 64, ahp)
                        accv = _logit_term(hoff + j * 64, accv)
                        _msg_term(hoff - C + j * 64 + 32, ahp)
                        return _logit_term(hoff + j * 64 + 32, accv)
                    accv = lax.fori_loop(0, CP2 // 2, _f, zero16)
                    plsc.addupdate(asum_s.at[dl],
                                   jnp.where(lane == h - 1, ahp, 0.0))
                    return _exp16(accv)
                ah7 = lax.fori_loop(1, H, chain, ah0)

                def _m7(j, __):
                    _msg_term((H - 1) * C + j * 32, ah7)
                    return 0
                lax.fori_loop(0, CP2, _m7, 0)
                plsc.addupdate(asum_s.at[dl],
                               jnp.where(lane == H - 1, ah7, 0.0))
                return 0
            lax.fori_loop(0, GSZ, edge_body, 0)
            return 0
        lax.fori_loop(0, ngb, group_body, 0)

        def _rec(r, _):
            rec_s[r] = 1.0 / (asum_s[r] + 1e-16)
            return 0
        lax.fori_loop(0, B, _rec, 0)

        def _norm_r(r, _):
            rv16 = jnp.full((GSZ,), r, jnp.int32)

            def _norm_h(h, __):
                rv = plsc.load_gather(rec_s, [rv16, jnp.full((GSZ,), h,
                                                             jnp.int32)])[0]
                hoff = h * C

                def _norm_j(j, ___):
                    o = hoff + j * 32
                    va = (acc_s[r, pl.ds(o, 16)] * rv
                          + realf * bias_s[pl.ds(o, 16)])
                    vb = (acc_s[r, pl.ds(o + 16, 16)] * rv
                          + realf * bias_s[pl.ds(o + 16, 16)])
                    stage_s[r, pl.ds(o, 32)] = plsc.pack(va, vb, format=_ILV)
                    return 0
                lax.fori_loop(0, CP2, _norm_j, 0)
                return 0
            lax.fori_loop(0, H, _norm_h, 0)
            return 0
        lax.fori_loop(0, B, _norm_r, 0)

        pltpu.sync_copy(stage_s, out_h.at[pl.ds(n0, B)])
        return 0
    lax.fori_loop(0, nbt, block_body, 0)


def _sc_edge(xl, xr, pmeta, est2, wat, bias):
    mesh = plsc.VectorSubcoreMesh(core_axis_name="c", subcore_axis_name="s")
    return pl.kernel(
        _sc_edge_body,
        out_type=jax.ShapeDtypeStruct((NPAD, HC), jnp.bfloat16),
        mesh=mesh,
        compiler_params=pltpu.CompilerParams(needs_layout_passes=False,
                                             use_tc_tiling_on_sc=False),
        scratch_types=[
            pltpu.VMEM((NBP, 16), jnp.int32),
            pltpu.VMEM((B + 1, HC), jnp.bfloat16),
            pltpu.VMEM((B + 1, HC), jnp.float32),
            pltpu.VMEM((B + 1, 16), jnp.float32),
            pltpu.VMEM((B, 16), jnp.float32),
            pltpu.VMEM((2, GSZ, HC), jnp.bfloat16),
            pltpu.VMEM((2, 3, 16), jnp.int32),
            pltpu.VMEM((B, HC), jnp.bfloat16),
            pltpu.VMEM((2, HC), jnp.bfloat16),
            pltpu.VMEM((HC,), jnp.float32),
            pltpu.SemaphoreType.DMA,
        ],
    )(xl, xr, pmeta, est2, wat, bias)



def _pool_body(batch_ref, h_ref, sums_ref, cnt_ref, out_ref):
    i = pl.program_id(0)

    @pl.when(i == 0)
    def _init():
        sums_ref[...] = jnp.zeros_like(sums_ref)
        cnt_ref[...] = jnp.zeros_like(cnt_ref)

    bvec = batch_ref[0, 0, :]
    onehot = (bvec[:, None]
              == lax.broadcasted_iota(jnp.int32, (1, G), 1)).astype(
                  jnp.bfloat16)
    sums_ref[...] += lax.dot_general(
        onehot, h_ref[...], (((0,), (0,)), ((), ())),
        preferred_element_type=jnp.float32)
    cnt_ref[...] += jnp.broadcast_to(
        jnp.sum(onehot.astype(jnp.float32), axis=0)[:, None], (G, 128))

    @pl.when(i == (NPAD // MBLK) - 1)
    def _fin():
        cnt = jnp.clip(cnt_ref[:, 0:1], 1.0, None)
        out_ref[...] = sums_ref[...] / cnt


def _pool(batch3, h2):
    _, _, out = pl.pallas_call(
        _pool_body,
        grid=(NPAD // MBLK,),
        in_specs=[
            pl.BlockSpec((1, 1, MBLK), lambda i: (i, 0, 0)),
            pl.BlockSpec((MBLK, HC), lambda i: (i, 0)),
        ],
        out_specs=[
            pl.BlockSpec((G, HC), lambda i: (0, 0)),
            pl.BlockSpec((G, 128), lambda i: (0, 0)),
            pl.BlockSpec((G, HC), lambda i: (0, 0)),
        ],
        out_shape=[
            jax.ShapeDtypeStruct((G, HC), jnp.float32),
            jax.ShapeDtypeStruct((G, 128), jnp.float32),
            jax.ShapeDtypeStruct((G, HC), jnp.float32),
        ],
    )(batch3, h2)
    return out



def kernel(x, edge_index, edge_attr, batch, Wl1, bl1, Wr1, br1, We1, att1, b1,
           Wl2, bl2, Wr2, br2, We2, att2, b2):
    src = edge_index[0]
    dst = edge_index[1]

    perm = jnp.argsort(dst)
    srcs = src[perm]
    dsts = dst[perm]
    eas = edge_attr[perm, 0]
    blk = dsts // B
    estart = jnp.searchsorted(dsts, (jnp.arange(NB + 1) * B).astype(jnp.int32)
                              ).astype(jnp.int32)
    cnt = estart[1:] - estart[:-1]
    ngrp = (cnt + GSZ - 1) // GSZ
    pstart = jnp.concatenate([jnp.zeros((1,), jnp.int32),
                              jnp.cumsum(ngrp * GSZ).astype(jnp.int32)])
    pos = pstart[blk] + (jnp.arange(E, dtype=jnp.int32) - estart[blk])
    psrc = jnp.zeros((EP,), jnp.int32).at[pos].set(srcs)
    pdl = jnp.full((EP,), B, jnp.int32).at[pos].set(
        (dsts - blk * B).astype(jnp.int32))
    pea = jnp.zeros((EP,), jnp.float32).at[pos].set(eas)
    eau = lax.bitcast_convert_type(pea.astype(jnp.bfloat16),
                                   jnp.uint16).astype(jnp.uint32)
    pea_bits = (eau | (eau << 16)).astype(jnp.int32)
    pmeta = jnp.concatenate([
        psrc.reshape(EPG, 1, GSZ),
        pdl.reshape(EPG, 1, GSZ),
        pea_bits.reshape(EPG, 1, GSZ),
    ], axis=1)
    est2 = jnp.zeros((NBP, 16), jnp.int32)
    est2 = (est2.at[:NB, 0].set(pstart[:NB])
                .at[:NB, 1].set(ngrp)
                .at[:NB, 2].set(1))

    wat1 = jnp.stack([We1[0], att1.reshape(-1)]).astype(jnp.bfloat16)
    wat2 = jnp.stack([We2[0], att2.reshape(-1)]).astype(jnp.bfloat16)

    xp = jnp.zeros((NPAD, D), jnp.bfloat16).at[:N].set(x.astype(jnp.bfloat16))
    xl1, xr1 = _proj(xp, Wl1.astype(jnp.bfloat16), Wr1.astype(jnp.bfloat16),
                     bl1, br1)
    if True:
        batch3p = jnp.full((NPAD,), G, jnp.int32).at[:N].set(batch).reshape(
            NPAD // MBLK, 1, MBLK)
        probe = _pool(batch3p, xl1)
        return probe + (pmeta.sum() + est2.sum() + wat1.sum().astype(
            jnp.float32) + wat2.sum().astype(jnp.float32) + b1[IPERM].sum()
            + b2[IPERM].sum() + xr1[0, 0].astype(jnp.float32))
    h = _sc_edge(xl1, xr1, pmeta, est2, wat1, b1[IPERM])

    xl2, xr2 = _proj(h, Wl2.astype(jnp.bfloat16), Wr2.astype(jnp.bfloat16),
                     bl2, br2)
    h2 = _sc_edge(xl2, xr2, pmeta, est2, wat2, b2[IPERM])

    batch3 = jnp.full((NPAD,), G, jnp.int32).at[:N].set(batch).reshape(
        NPAD // MBLK, 1, MBLK)
    return _pool(batch3, h2)

# --- scband reference (transcript-rebuilt; emitter-appended) ---
"""Pipeline reference for scband-target-gnn-28681791603120 (READ-ONLY COPY).

The authoritative reference and input builder live on the scoring server;
editing this copy changes nothing except your own understanding.
"""

import jax, jax.numpy as jnp
import numpy as np

N = 10000
E = 32000
D = 2560
H = 8
C = 320
G = 8


def _gatv2(x, edge_attr, src, dst, Wl, bl, Wr, br, We, att, bias):
    xl = x @ Wl + bl
    xr = x @ Wr + br
    e = edge_attr @ We
    m = xl[src] + xr[dst] + e
    m = jax.nn.leaky_relu(m, negative_slope=0.2)
    m = m.reshape(E, H, C)
    alpha = (m * att[None, :, :]).sum(-1)
    amax = jax.ops.segment_max(alpha, dst, num_segments=N)
    amax = jnp.where(jnp.isfinite(amax), amax, 0.0)
    alpha = jnp.exp(alpha - jax.lax.stop_gradient(amax)[dst])
    asum = jax.ops.segment_sum(alpha, dst, num_segments=N)
    alpha = alpha / (asum[dst] + 1e-16)
    msg = xl[src].reshape(E, H, C) * alpha[:, :, None]
    out = jax.ops.segment_sum(msg, dst, num_segments=N)
    return out.reshape(N, H * C) + bias


def setup_inputs(seed: int = 0):
    key = jax.random.key(seed)
    ks = jax.random.split(key, 20)
    s = 0.02
    inp = {}
    inp['x'] = jax.random.normal(ks[0], (N, D), jnp.float32)
    inp['edge_index'] = jax.random.randint(ks[1], (2, E), 0, N, jnp.int32)
    inp['edge_attr'] = jax.random.normal(ks[2], (E, 1), jnp.float32)
    inp['batch'] = jnp.sort(jax.random.randint(ks[3], (N,), 0, G, jnp.int32))
    inp['Wl1'] = jax.random.normal(ks[4], (D, H * C), jnp.float32) * s
    inp['bl1'] = jnp.zeros((H * C,), jnp.float32)
    inp['Wr1'] = jax.random.normal(ks[5], (D, H * C), jnp.float32) * s
    inp['br1'] = jnp.zeros((H * C,), jnp.float32)
    inp['We1'] = jax.random.normal(ks[6], (1, H * C), jnp.float32) * s
    inp['att1'] = jax.random.normal(ks[7], (H, C), jnp.float32) * s
    inp['b1'] = jnp.zeros((H * C,), jnp.float32)
    inp['Wl2'] = jax.random.normal(ks[8], (H * C, H * C), jnp.float32) * s
    inp['bl2'] = jnp.zeros((H * C,), jnp.float32)
    inp['Wr2'] = jax.random.normal(ks[9], (H * C, H * C), jnp.float32) * s
    inp['br2'] = jnp.zeros((H * C,), jnp.float32)
    inp['We2'] = jax.random.normal(ks[10], (1, H * C), jnp.float32) * s
    inp['att2'] = jax.random.normal(ks[11], (H, C), jnp.float32) * s
    inp['b2'] = jnp.zeros((H * C,), jnp.float32)
    return inp


def reference(x, edge_index, edge_attr, batch, Wl1, bl1, Wr1, br1, We1, att1, b1, Wl2, bl2, Wr2, br2, We2, att2, b2):
    src = edge_index[0]
    dst = edge_index[1]
    h = _gatv2(x, edge_attr, src, dst, Wl1, bl1, Wr1, br1, We1, att1, b1)
    # dropout is identity in eval mode
    h = _gatv2(h, edge_attr, src, dst, Wl2, bl2, Wr2, br2, We2, att2, b2)
    sums = jax.ops.segment_sum(h, batch, num_segments=G)
    cnt = jax.ops.segment_sum(jnp.ones((N,), jnp.float32), batch, num_segments=G)
    return sums / jnp.clip(cnt, 1.0, None)[:, None]

if __name__ == "__main__":
    import jax
    _d = setup_inputs()
    print(jax.jit(kernel)(*tuple(_d.values())))

</pallas_src>

<mosaic_0001>
module attributes {stable_mosaic.version = 14 : i64} {
  func.func @_mm_body(%arg0: i32, %arg1: memref<512x2560xbf16, #tpu.memory_space<vmem>>, %arg2: memref<2560x2560xbf16, #tpu.memory_space<vmem>>, %arg3: memref<2560x2560xbf16, #tpu.memory_space<vmem>>, %arg4: memref<1x2560xf32, #tpu.memory_space<vmem>>, %arg5: memref<1x2560xf32, #tpu.memory_space<vmem>>, %arg6: memref<512x2560xbf16, #tpu.memory_space<vmem>>, %arg7: memref<512x2560xbf16, #tpu.memory_space<vmem>>) attributes {dimension_semantics = [#tpu.dimension_semantics<arbitrary>], iteration_bounds = array<i64: 20>, scalar_prefetch = 0 : i64, scratch_operands = 0 : i64, tpu.core_type = #tpu.core_type<tc>, window_params = [{transform_indices = @transform_0, window_bounds = array<i64: 512, 2560>}, {pipeline_mode = #tpu.pipeline_mode<synchronous>, transform_indices = @transform_1, window_bounds = array<i64: 2560, 2560>}, {pipeline_mode = #tpu.pipeline_mode<synchronous>, transform_indices = @transform_2, window_bounds = array<i64: 2560, 2560>}, {pipeline_mode = #tpu.pipeline_mode<synchronous>, transform_indices = @transform_3, window_bounds = array<i64: 1, 2560>}, {pipeline_mode = #tpu.pipeline_mode<synchronous>, transform_indices = @transform_4, window_bounds = array<i64: 1, 2560>}, {transform_indices = @transform_5, window_bounds = array<i64: 512, 2560>}, {transform_indices = @transform_6, window_bounds = array<i64: 512, 2560>}]} {
    %get3A = arith.constant 0 : index
    %get3A_0 = arith.constant 0 : index
    %get3A_1 = vector.load %arg1[%get3A, %get3A_0] : memref<512x2560xbf16, #tpu.memory_space<vmem>>, vector<512x2560xbf16>
    %get3A_2 = arith.constant 0 : index
    %get3A_3 = arith.constant 0 : index
    %get3A_4 = vector.load %arg2[%get3A_2, %get3A_3] : memref<2560x2560xbf16, #tpu.memory_space<vmem>>, vector<2560x2560xbf16>
    %dot_general3A = arith.constant dense<0.000000e+00> : vector<512x2560xf32>
    %dot_general3A_5 = tpu.matmul %get3A_1, %get3A_4, %dot_general3A {dimension_numbers = #tpu.dot_dimension_numbers<[1], [0], [0], [1], [0, 0, 1, 1], [], []>, transpose_lhs_hint = false} : vector<512x2560xbf16>, vector<2560x2560xbf16>, vector<512x2560xf32> -> vector<512x2560xf32>
    %get3A_6 = arith.constant 0 : index
    %get3A_7 = arith.constant 0 : index
    %get3A_8 = vector.load %arg4[%get3A_6, %get3A_7] : memref<1x2560xf32, #tpu.memory_space<vmem>>, vector<1x2560xf32>
    %add3A = vector.broadcast %get3A_8 : vector<1x2560xf32> to vector<512x2560xf32>
    %add3A_9 = arith.addf %dot_general3A_5, %add3A : vector<512x2560xf32>
    %convert_element_type3A = arith.truncf %add3A_9 : vector<512x2560xf32> to vector<512x2560xbf16>
    %swap3A = arith.constant 0 : index
    %swap3A_10 = arith.constant 0 : index
    %swap3A_11 = vector.load %arg6[%swap3A, %swap3A_10] : memref<512x2560xbf16, #tpu.memory_space<vmem>>, vector<512x2560xbf16>
    tpu.vector_store %arg6[%swap3A, %swap3A_10], %convert_element_type3A {strides = array<i32>} : memref<512x2560xbf16, #tpu.memory_space<vmem>>, vector<512x2560xbf16>,
    %get3A_12 = arith.constant 0 : index
    %get3A_13 = arith.constant 0 : index
    %get3A_14 = vector.load %arg3[%get3A_12, %get3A_13] : memref<2560x2560xbf16, #tpu.memory_space<vmem>>, vector<2560x2560xbf16>
    %dot_general3A_15 = arith.constant dense<0.000000e+00> : vector<512x2560xf32>
    %dot_general3A_16 = tpu.matmul %get3A_1, %get3A_14, %dot_general3A_15 {dimension_numbers = #tpu.dot_dimension_numbers<[1], [0], [0], [1], [0, 0, 1, 1], [], []>, transpose_lhs_hint = false} : vector<512x2560xbf16>, vector<2560x2560xbf16>, vector<512x2560xf32> -> vector<512x2560xf32>
    %get3A_17 = arith.constant 0 : index
    %get3A_18 = arith.constant 0 : index
    %get3A_19 = vector.load %arg5[%get3A_17, %get3A_18] : memref<1x2560xf32, #tpu.memory_space<vmem>>, vector<1x2560xf32>
    %add3A_20 = vector.broadcast %get3A_19 : vector<1x2560xf32> to vector<512x2560xf32>
    %add3A_21 = arith.addf %dot_general3A_16, %add3A_20 : vector<512x2560xf32>
    %convert_element_type3A_22 = arith.truncf %add3A_21 : vector<512x2560xf32> to vector<512x2560xbf16>
    %swap3A_23 = arith.constant 0 : index
    %swap3A_24 = arith.constant 0 : index
    %swap3A_25 = vector.load %arg7[%swap3A_23, %swap3A_24] : memref<512x2560xbf16, #tpu.memory_space<vmem>>, vector<512x2560xbf16>
    tpu.vector_store %arg7[%swap3A_23, %swap3A_24], %convert_element_type3A_22 {strides = array<i32>} : memref<512x2560xbf16, #tpu.memory_space<vmem>>, vector<512x2560xbf16>,
    return
  }
  func.func @transform_0(%arg0: i32) -> (i32, i32) {
    %c0_i32 = arith.constant 0 : i32
    %c0_i32_0 = arith.constant 0 : i32
    return %arg0, %c0_i32 : i32, i32
  }
  func.func @transform_1(%arg0: i32) -> (i32, i32) {
    %c0_i32 = arith.constant 0 : i32
    %c0_i32_0 = arith.constant 0 : i32
    %c0_i32_1 = arith.constant 0 : i32
    return %c0_i32, %c0_i32_0 : i32, i32
  }
  func.func @transform_2(%arg0: i32) -> (i32, i32) {
    %c0_i32 = arith.constant 0 : i32
    %c0_i32_0 = arith.constant 0 : i32
    %c0_i32_1 = arith.constant 0 : i32
    return %c0_i32, %c0_i32_0 : i32, i32
  }
  func.func @transform_3(%arg0: i32) -> (i32, i32) {
    %c0_i32 = arith.constant 0 : i32
    %c0_i32_0 = arith.constant 0 : i32
    %c0_i32_1 = arith.constant 0 : i32
    return %c0_i32, %c0_i32_0 : i32, i32
  }
  func.func @transform_4(%arg0: i32) -> (i32, i32) {
    %c0_i32 = arith.constant 0 : i32
    %c0_i32_0 = arith.constant 0 : i32
    %c0_i32_1 = arith.constant 0 : i32
    return %c0_i32, %c0_i32_0 : i32, i32
  }
  func.func @transform_5(%arg0: i32) -> (i32, i32) {
    %c0_i32 = arith.constant 0 : i32
    %c0_i32_0 = arith.constant 0 : i32
    return %arg0, %c0_i32 : i32, i32
  }
  func.func @transform_6(%arg0: i32) -> (i32, i32) {
    %c0_i32 = arith.constant 0 : i32
    %c0_i32_0 = arith.constant 0 : i32
    return %arg0, %c0_i32 : i32, i32
  }
}

module attributes {stable_mosaic.version = 14 : i64} {
  func.func @_pool_body(%arg0: i32, %arg1: memref<1x1x256xi32, #tpu.memory_space<vmem>>, %arg2: memref<256x2560xbf16, #tpu.memory_space<vmem>>, %arg3: memref<8x2560xf32, #tpu.memory_space<vmem>>, %arg4: memref<8x128xf32, #tpu.memory_space<vmem>>, %arg5: memref<8x2560xf32, #tpu.memory_space<vmem>>) attributes {dimension_semantics = [#tpu.dimension_semantics<arbitrary>], iteration_bounds = array<i64: 40>, scalar_prefetch = 0 : i64, scratch_operands = 0 : i64, tpu.core_type = #tpu.core_type<tc>, window_params = [{transform_indices = @transform_0, window_bounds = array<i64: 1, 1, 256>}, {transform_indices = @transform_1, window_bounds = array<i64: 256, 2560>}, {pipeline_mode = #tpu.pipeline_mode<synchronous>, transform_indices = @transform_2, window_bounds = array<i64: 8, 2560>}, {pipeline_mode = #tpu.pipeline_mode<synchronous>, transform_indices = @transform_3, window_bounds = array<i64: 8, 128>}, {pipeline_mode = #tpu.pipeline_mode<synchronous>, transform_indices = @transform_4, window_bounds = array<i64: 8, 2560>}]} {
    %eq3A = arith.constant 0 : i32
    %eq3A_0 = arith.cmpi eq, %arg0, %eq3A : i32
    %convert_element_type3A = arith.extui %eq3A_0 : i1 to i32
    %cond3A = arith.constant 0 : i32
    %cond3A_1 = arith.cmpi ne, %convert_element_type3A, %cond3A : i32
    scf.if %cond3A_1 {
      %broadcast_in_dim3A_38 = arith.constant 0.000000e+00 : f32
      %broadcast_in_dim3A_39 = vector.broadcast %broadcast_in_dim3A_38 : f32 to vector<8x2560xf32>
      %swap3A_40 = arith.constant 0 : index
      %swap3A_41 = arith.constant 0 : index
      %swap3A_42 = vector.load %arg3[%swap3A_40, %swap3A_41] : memref<8x2560xf32, #tpu.memory_space<vmem>>, vector<8x2560xf32>
      tpu.vector_store %arg3[%swap3A_40, %swap3A_41], %broadcast_in_dim3A_39 {strides = array<i32>} : memref<8x2560xf32, #tpu.memory_space<vmem>>, vector<8x2560xf32>,
      %broadcast_in_dim3A_43 = arith.constant 0.000000e+00 : f32
      %broadcast_in_dim3A_44 = vector.broadcast %broadcast_in_dim3A_43 : f32 to vector<8x128xf32>
      %swap3A_45 = arith.constant 0 : index
      %swap3A_46 = arith.constant 0 : index
      %swap3A_47 = vector.load %arg4[%swap3A_45, %swap3A_46] : memref<8x128xf32, #tpu.memory_space<vmem>>, vector<8x128xf32>
      tpu.vector_store %arg4[%swap3A_45, %swap3A_46], %broadcast_in_dim3A_44 {strides = array<i32>} : memref<8x128xf32, #tpu.memory_space<vmem>>, vector<8x128xf32>,
    } else {
    }
    %get3A = arith.constant 0 : index
    %get3A_2 = arith.constant 0 : index
    %get3A_3 = arith.constant 0 : index
    %get3A_4 = vector.load %arg1[%get3A, %get3A_2, %get3A_3] : memref<1x1x256xi32, #tpu.memory_space<vmem>>, vector<1x1x256xi32>
    %get3A_5 = vector.shape_cast %get3A_4 : vector<1x1x256xi32> to vector<256xi32>
    %broadcast_in_dim3A = vector.shape_cast %get3A_5 : vector<256xi32> to vector<256x1xi32>
    %iota3A = tpu.iota {dimensions = array<i32: 1>} : vector<1x8xi32>
    %eq3A_6 = vector.broadcast %broadcast_in_dim3A : vector<256x1xi32> to vector<256x8xi32>
    %eq3A_7 = vector.broadcast %iota3A : vector<1x8xi32> to vector<256x8xi32>
    %eq3A_8 = arith.cmpi eq, %eq3A_6, %eq3A_7 : vector<256x8xi32>
    %convert_element_type3A_9 = arith.extui %eq3A_8 : vector<256x8xi1> to vector<256x8xi32>
    %convert_element_type3A_10 = arith.sitofp %convert_element_type3A_9 : vector<256x8xi32> to vector<256x8xf32>
    %convert_element_type3A_11 = arith.truncf %convert_element_type3A_10 : vector<256x8xf32> to vector<256x8xbf16>
    %get3A_12 = arith.constant 0 : index
    %get3A_13 = arith.constant 0 : index
    %get3A_14 = vector.load %arg3[%get3A_12, %get3A_13] : memref<8x2560xf32, #tpu.memory_space<vmem>>, vector<8x2560xf32>
    %get3A_15 = arith.constant 0 : index
    %get3A_16 = arith.constant 0 : index
    %get3A_17 = vector.load %arg2[%get3A_15, %get3A_16] : memref<256x2560xbf16, #tpu.memory_space<vmem>>, vector<256x2560xbf16>
    %dot_general3A = arith.constant dense<0.000000e+00> : vector<8x2560xf32>
    %dot_general3A_18 = tpu.matmul %convert_element_type3A_11, %get3A_17, %dot_general3A {dimension_numbers = #tpu.dot_dimension_numbers<[0], [0], [1], [1], [0, 1, 1, 1], [], []>, transpose_lhs_hint = false} : vector<256x8xbf16>, vector<256x2560xbf16>, vector<8x2560xf32> -> vector<8x2560xf32>
    %add3A = arith.addf %get3A_14, %dot_general3A_18 : vector<8x2560xf32>
    %swap3A = arith.constant 0 : index
    %swap3A_19 = arith.constant 0 : index
    %swap3A_20 = vector.load %arg3[%swap3A, %swap3A_19] : memref<8x2560xf32, #tpu.memory_space<vmem>>, vector<8x2560xf32>
    tpu.vector_store %arg3[%swap3A, %swap3A_19], %add3A {strides = array<i32>} : memref<8x2560xf32, #tpu.memory_space<vmem>>, vector<8x2560xf32>,
    %get3A_21 = arith.constant 0 : index
    %get3A_22 = arith.constant 0 : index
    %get3A_23 = vector.load %arg4[%get3A_21, %get3A_22] : memref<8x128xf32, #tpu.memory_space<vmem>>, vector<8x128xf32>
    %convert_element_type3A_24 = arith.extf %convert_element_type3A_11 : vector<256x8xbf16> to vector<256x8xf32>
    %reduce_sum3A = arith.constant dense<0.000000e+00> : vector<8xf32>
    %reduce_sum3A_25 = vector.multi_reduction <add>, %convert_element_type3A_24, %reduce_sum3A [0] : vector<256x8xf32> to vector<8xf32>
    %broadcast_in_dim3A_26 = vector.shape_cast %reduce_sum3A_25 : vector<8xf32> to vector<8x1xf32>
    %broadcast_in_dim3A_27 = vector.shape_cast %broadcast_in_dim3A_26 : vector<8x1xf32> to vector<8x1xf32>
    %broadcast_in_dim3A_28 = vector.broadcast %broadcast_in_dim3A_27 : vector<8x1xf32> to vector<8x128xf32>
    %add3A_29 = arith.addf %get3A_23, %broadcast_in_dim3A_28 : vector<8x128xf32>
    %swap3A_30 = arith.constant 0 : index
    %swap3A_31 = arith.constant 0 : index
    %swap3A_32 = vector.load %arg4[%swap3A_30, %swap3A_31] : memref<8x128xf32, #tpu.memory_space<vmem>>, vector<8x128xf32>
    tpu.vector_store %arg4[%swap3A_30, %swap3A_31], %add3A_29 {strides = array<i32>} : memref<8x128xf32, #tpu.memory_space<vmem>>, vector<8x128xf32>,
    %eq3A_33 = arith.constant 39 : i32
    %eq3A_34 = arith.cmpi eq, %arg0, %eq3A_33 : i32
    %convert_element_type3A_35 = arith.extui %eq3A_34 : i1 to i32
    %cond3A_36 = arith.constant 0 : i32
    %cond3A_37 = arith.cmpi ne, %convert_element_type3A_35, %cond3A_36 : i32
    scf.if %cond3A_37 {
      %get3A_38 = arith.constant 0 : index
      %get3A_39 = arith.constant 0 : index
      %get3A_40 = vector.load %arg4[%get3A_38, %get3A_39] : memref<8x128xf32, #tpu.memory_space<vmem>>, vector<8x1xf32>
      %jit3A = arith.constant 1.000000e+00 : f32
      %max3A = vector.broadcast %jit3A : f32 to vector<8x1xf32>
      %max3A_41 = arith.maximumf %max3A, %get3A_40 : vector<8x1xf32>
      %get3A_42 = arith.constant 0 : index
      %get3A_43 = arith.constant 0 : index
      %get3A_44 = vector.load %arg3[%get3A_42, %get3A_43] : memref<8x2560xf32, #tpu.memory_space<vmem>>, vector<8x2560xf32>
      %div3A = vector.broadcast %max3A_41 : vector<8x1xf32> to vector<8x2560xf32>
      %div3A_45 = arith.divf %get3A_44, %div3A : vector<8x2560xf32>
      %swap3A_46 = arith.constant 0 : index
      %swap3A_47 = arith.constant 0 : index
      %swap3A_48 = vector.load %arg5[%swap3A_46, %swap3A_47] : memref<8x2560xf32, #tpu.memory_space<vmem>>, vector<8x2560xf32>
      tpu.vector_store %arg5[%swap3A_46, %swap3A_47], %div3A_45 {strides = array<i32>} : memref<8x2560xf32, #tpu.memory_space<vmem>>, vector<8x2560xf32>,
    } else {
    }
    return
  }
  func.func @transform_0(%arg0: i32) -> (i32, i32, i32) {
    %c0_i32 = arith.constant 0 : i32
    %c0_i32_0 = arith.constant 0 : i32
    %c0_i32_1 = arith.constant 0 : i32
    return %arg0, %c0_i32, %c0_i32_0 : i32, i32, i32
  }
  func.func @transform_1(%arg0: i32) -> (i32, i32) {
    %c0_i32 = arith.constant 0 : i32
    %c0_i32_0 = arith.constant 0 : i32
    return %arg0, %c0_i32 : i32, i32
  }
  func.func @transform_2(%arg0: i32) -> (i32, i32) {
    %c0_i32 = arith.constant 0 : i32
    %c0_i32_0 = arith.constant 0 : i32
    %c0_i32_1 = arith.constant 0 : i32
    return %c0_i32, %c0_i32_0 : i32, i32
  }
  func.func @transform_3(%arg0: i32) -> (i32, i32) {
    %c0_i32 = arith.constant 0 : i32
    %c0_i32_0 = arith.constant 0 : i32
    %c0_i32_1 = arith.constant 0 : i32
    return %c0_i32, %c0_i32_0 : i32, i32
  }
  func.func @transform_4(%arg0: i32) -> (i32, i32) {
    %c0_i32 = arith.constant 0 : i32
    %c0_i32_0 = arith.constant 0 : i32
    %c0_i32_1 = arith.constant 0 : i32
    return %c0_i32, %c0_i32_0 : i32, i32
  }
}

</mosaic_0001>

<sc_bundles>
// kernel: gather_offload_async_start.1
scs
__scs_entry_jumppad:
0x0: {  	(pc) =	sbr.rel $0x88, $3  }
0x1: {  	(tag) =	ssettag $0x0;
	lr =	simm.s32 $0x1  }
0x2: {  	[smem:$0x3F93] =	sst lr;
	_ =	strace $0xD0000000  }
0x3: {  	_ = 	snop  }
0x4: {  	_ = 	snop  }
0x5: {  	_ = 	snop  }
0x6: {  	_ = 	snop  }
0x7: {  	_ = 	snop  }
__scs_overlays_trampoline_lowered:
0x8: {  	[smem:$0x3FA2] =	sst s0  }
0x9: {  	[smem:$0x3FA3] =	sst s1  }
0xa: {  	[smem:$0x3FA4] =	sst s2  }
0xb: {  	[smem:$0x3FA5] =	sst s3  }
0xc: {  	[smem:$0x3FA6] =	sst s4  }
0xd: {  	[smem:$0x3FA7] =	sst s5  }
0xe: {  	[smem:$0x3FA8] =	sst s6  }
0xf: {  	[smem:$0x3FA9] =	sst s7  }
0x10: {  	[smem:$0x3FAA] =	sst s8  }
0x11: {  	[smem:$0x3FAB] =	sst s9;
	s0 =	simm.s32 @!p0 $0x0  }
0x12: {  	s1 =	sld [smem:$0x3F91];
	s0 =	simm.s32 @p0 $0x1  }
0x13: {  	[smem:$0x3FAC] =	sst s0;
	s0 =	simm.s32 @!p1 $0x0  }
0x14: {  	s2 =	sld [smem:$0x3F90];
	s0 =	simm.s32 @p1 $0x1  }
0x15: {  	[smem:$0x3FAD] =	sst s0;
	s0 =	simm.s32 @!p2 $0x0  }
0x16: {  	s3 =	sld [smem:$0x3FDB];
	s0 =	simm.s32 @p2 $0x1  }
0x17: {  	s4 =	simm.s32 $0x1BF5;
	[smem:$0x3FAF] =	sst s0  }
0x18: {  	s0 =	sld [smem:$0x3F92];
	_ =	swait.ge [sflag:s4], $0x0  }
0x19: {  	s7 =	sld [smem:$0x3F93]  }
0x1a: {  	s8 =	sadd.s32 $0xFFFFE003, lr  }
0x1b: {  	s9 =	sadd.s32 $0xFFFFFEF7, lr;
	s5 =	simm.s32 $0xFFFFFFFF;
	p2 =	slt.u32 s8, $0xFFFFF086  }
0x1c: {  	p1 =	slt.u32 s9, $0xF7A;
	s5 =	simm.s32 @!p2 $0x0  }
0x1d: {  	s5 =	simm.s32 @p1 $0x1;
	p0 =	seq.s32 s7, s2  }
0x1e: {  	s7 =	smul.u32 @!p0 $0xF7A, s2;
	p2 =	seq.s32 @!p0 s5, $0x0  }
0x1f: {  	s9 =	smul.u32 $0xF7A, s1;
	s8 =	simm.s32 @!p0 $0x1BF5;
	p2 =	por !p2, p0  }
0x20: {  	[sflag:s8] =	ssyncset.s32 @!p0 $0xFFFFF086;
	s6 =	sadd.s32 @!p0 s3, s7;
	s7 =	simm.s32 @!p0 $0x108  }
0x21: {  	s3 =	sadd.s32 s3, s9;
	s6 =	sadd.s32 @!p0 $0x88, s6;
	s7 =	simm.s32 @p2 $0x1082  }
0x22: {  	[simem:s7], [sflag:s8] =	dma.local @!p0 [hbm:s6], $0xF7A  }
0x23: {  	s9 =	sor.u32 $0xD0000000, s2;
	s6 =	simm.s32 $0x108;
	_ =	swait.ge @!p0 [sflag:s8], $0x0  }
0x24: {  	s3 =	sadd.s32 $0x88, s3;
	s6 =	simm.s32 @!p1 $0x1082;
	[sflag:s4] =	ssyncset.s32 $0xFFFFF086  }
0x25: {  	[simem:s6], [sflag:s4] =	dma.local [hbm:s3], $0xF7A  }
0x26: {  	[smem:$0x3F93] =	sst s1;
	(tag) =	ssettag s2;
	_ =	strace s9  }
0x27: {  	s1 =	sld [smem:$0x3FA3]  }
0x28: {  	s2 =	sld [smem:$0x3FA4]  }
0x29: {  	s4 =	sld [smem:$0x3FA6]  }
0x2a: {  	p0 =	seq.s32 s5, $0x0;
	s5 =	sld [smem:$0x3FA7]  }
0x2b: {  	s6 =	sld [smem:$0x3FA8]  }
0x2c: {  	s7 =	sld [smem:$0x3FA9]  }
0x2d: {  	s3 =	simm.s32 $0x108;
	s8 =	sld [smem:$0x3FAA]  }
0x2e: {  	s3 =	simm.s32 @!p0 $0x1082;
	s9 =	sld [smem:$0x3FAB]  }
0x2f: {  	lr =	sadd.s32 s0, s3;
	s0 =	sld [smem:$0x3FA2]  }
0x30: {  	s3 =	sld [smem:$0x3FA5]  }
0x31: {  	[smem:$0x3FAE] =	sst s10  }
0x32: {  	s10 =	sld [smem:$0x3FAC];
	_ =	sdelay $0x3  }
0x33: {  	p0 =	seq.s32 s10, $0x1;
	s10 =	sld [smem:$0x3FAE];
	_ =	sdelay $0x3  }
0x34: {  	[smem:$0x3FAE] =	sst s10  }
0x35: {  	s10 =	sld [smem:$0x3FAD];
	_ =	sdelay $0x3  }
0x36: {  	p1 =	seq.s32 s10, $0x1;
	s10 =	sld [smem:$0x3FAE];
	_ =	sdelay $0x3  }
0x37: {  	[smem:$0x3FAE] =	sst s10  }
0x38: {  	s10 =	sld [smem:$0x3FAF]  }
0x39: {  	_ = 	snop;
	(pc) =	sbr.ind lr, $3  }
0x3a: {  	_ = 	snop  }
0x3b: {  	_ = 	snop  }
0x3c: {  	p2 =	seq.s32 s10, $0x1;
	s10 =	sld [smem:$0x3FAE]  }
0x3d: {  	_ =	shalt  }
0x3e: {  	_ =	shalt  }
0x3f: {  	_ =	shalt  }
0x40: {  	_ =	shalt  }
0x41: {  	_ =	shalt  }
0x42: {  	_ =	shalt  }
0x43: {  	_ =	shalt  }
0x44: {  	_ =	shalt  }
0x45: {  	_ =	shalt  }
0x46: {  	_ =	shalt  }
0x47: {  	_ =	shalt  }
0x48: {  	_ =	shalt  }
0x49: {  	_ =	shalt  }
0x4a: {  	_ =	shalt  }
0x4b: {  	_ =	shalt  }
0x4c: {  	_ =	shalt  }
0x4d: {  	_ =	shalt  }
0x4e: {  	_ =	shalt  }
0x4f: {  	_ =	shalt  }
0x50: {  	_ =	shalt  }
0x51: {  	_ =	shalt  }
0x52: {  	_ =	shalt  }
0x53: {  	_ =	shalt  }
0x54: {  	_ =	shalt  }
0x55: {  	_ =	shalt  }
0x56: {  	_ =	shalt  }
0x57: {  	_ =	shalt  }
0x58: {  	_ =	shalt  }
0x59: {  	_ =	shalt  }
0x5a: {  	_ =	shalt  }
0x5b: {  	_ =	shalt  }
0x5c: {  	_ =	shalt  }
0x5d: {  	_ =	shalt  }
0x5e: {  	_ =	shalt  }
0x5f: {  	_ =	shalt  }
0x60: {  	_ =	shalt  }
0x61: {  	_ =	shalt  }
0x62: {  	_ =	shalt  }
0x63: {  	_ =	shalt  }
0x64: {  	_ =	shalt  }
0x65: {  	_ =	shalt  }
0x66: {  	_ =	shalt  }
0x67: {  	_ =	shalt  }
0x68: {  	_ =	shalt  }
0x69: {  	_ =	shalt  }
0x6a: {  	_ =	shalt  }
0x6b: {  	_ =	shalt  }
0x6c: {  	_ =	shalt  }
0x6d: {  	_ =	shalt  }
0x6e: {  	_ =	shalt  }
0x6f: {  	_ =	shalt  }
0x70: {  	_ =	shalt  }
0x71: {  	_ =	shalt  }
0x72: {  	_ =	shalt  }
0x73: {  	_ =	shalt  }
0x74: {  	_ =	shalt  }
0x75: {  	_ =	shalt  }
0x76: {  	_ =	shalt  }
0x77: {  	_ =	shalt  }
0x78: {  	_ =	shalt  }
0x79: {  	_ =	shalt  }
0x7a: {  	_ =	shalt  }
0x7b: {  	_ =	shalt  }
0x7c: {  	_ =	shalt  }
0x7d: {  	_ =	shalt  }
0x7e: {  	_ =	shalt  }
0x7f: {  	_ =	shalt  }
0x80: {  	_ =	shalt  }
0x81: {  	_ =	shalt  }
0x82: {  	_ =	shalt  }
0x83: {  	_ =	shalt  }
0x84: {  	_ =	shalt  }
0x85: {  	_ =	shalt  }
0x86: {  	_ =	shalt  }
0x87: {  	_ =	shalt  }
.Lfunc_end0:
.L_simem_size_0:
called_computation.1_lowered:
.L_overlay_start_0:
0x88: {  	s2 =	sld [smem:$0x3FD9]  }
0x89: {  	s3 =	sld [smem:$0x3FFE];
	_ =	sdelay $0x1  }
0x8a: {  	s1 =	srdreg.scid  }
0x8b: {  	s0 =	sand.u32 $0x1, s1  }
0x8c: {  	s16 =	sshll.u32 s0, $0xA;
	s2 =	sadd.s32 s3, s2  }
0x8d: {  	s2 =	sadd.s32 s2, s16  }
0x8e: {  	[smem:$0x3FBA] =	sst s2  }
0x8f: {  	_ = 	snop  }
0x90: {  	(tm) =	ssettm $0x1  }
0x91: {  	s17 =	sld [smem:$0x3FFB];
	_ =	sdelay $0x3  }
0x92: {  	_ =	strace s17  }
0x93: {  	s2 =	sld [smem:$0x3FFC];
	_ =	sdelay $0x3  }
0x94: {  	_ =	strace s2  }
0x95: {  	s2 =	sld [smem:$0x3FFD];
	_ =	sdelay $0x3  }
0x96: {  	_ =	strace s2  }
0x97: {  	_ =	strace $0x8FFFFFFF  }
0x98: {  	s18 =	sld [smem:$0x3FDB];
	_ =	sdelay $0x1  }
0x99: {  	s19 =	simm.s32 $_scs_section_size  }
0x9a: {  	s4 =	simm.s32 $_size__tile_overlayer_lowered;
	s5 =	simm.s32 $_tile_overlayer_lowered  }
0x9b: {  	s22 =	simm.s32 $0x1BFF;
	s21 =	sshll.u32 s5, $0x1;
	s2 =	sadd.s32 s19, s18  }
0x9c: {  	s6 =	simm.s32 $0x0;
	s20 =	sshll.u32 s4, $0x1;
	s4 =	sadd.s32 s21, s2  }
0x9d: {  	[timem:s6], [sflag:s22] =	dma.local [hbm:s4], s20  }
0x9e: {  	_ =	swait.ge [sflag:s22], s20  }
0x9f: {  	s3 =	ssub.s32 $0x0, s20;
	[sflag:s22] =	ssyncset.done $0x0  }
0xa0: {  	[sflag:s22] =	ssyncadd.s32 s3;
	_ =	sdelay $0x1  }
0xa1: {  	s23 =	simm.s32 $0x1B8B  }
0xa2: {  	_ =	swait.ge [sflag:s23], $0x1  }
0xa3: {  	[sflag:s23] =	ssyncset.done $0x0  }
0xa4: {  	s25 =	simm.s32 $0x1B8E;
	s24 =	sld [smem:$0x3FFE];
	[sflag:s23] =	ssyncadd.s32 $0xFFFFFFFF  }
0xa5: {  	s26 =	simm.s32 $execute0_lowered;
	[smem:$0x3FD2] =	sst s25  }
0xa6: {  	s4 =	sshll.u32 s26, $0x1;
	_ =	strace $0x80000046;
	[dreg:$0x1] =	wrdreg $0xFFFFFFFF  }
0xa7: {  	s28 =	simm.s32 $_size_execute0_lowered;
	s2 =	sadd.s32 s2, s4;
	[dreg:$0x0] =	wrdreg $0x0  }
0xa8: {  	s4 =	sshll.u32 s28, $0x1;
	[dreg:$0x2] =	wrdreg s2  }
0xa9: {  	[dreg:$0x3] =	wrdreg s4  }
0xaa: {  	[dreg:$0x4] =	wrdreg $0xC0  }
0xab: {  	_ =	task [dreg:s6], $0x5FFFF  }
0xac: {  	[dreg:$0x1] =	wrdreg $0xFFFFFFFF  }
0xad: {  	[dreg:$0x0] =	wrdreg $0x60  }
0xae: {  	[dreg:$0x2] =	wrdreg s24  }
0xaf: {  	[dreg:$0x3] =	wrdreg $0x9  }
0xb0: {  	_ =	task.clear_ibuf [dreg:s6], $0x4FFFF;
	_ =	strace $0x90000046  }
0xb1: {  	s29 =	simm.s32 $0x9;
	_ =	strace $0x80000048  }
0xb2: {  	_ =	swait.ge [sflag:s29], $0x1  }
0xb3: {  	[sflag:s29] =	ssyncadd.s32 $0xFFFFFFFF  }
0xb4: {  	_ =	strace $0x90000048  }
0xb5: {  	_ =	sfence  }
0xb6: {  	s30 =	sld [smem:$0x0];
	_ =	sdelay $0x2  }
0xb7: {  	s31 =	sshll.u32 s1, $0xD;
	s1 =	sshrl.u32 s1, $0x2  }
0xb8: {  	s3 =	sand.u32 $0x4000, s31;
	s1 =	sadd.s32 s1, s30  }
0xb9: {  	s0 =	sor.u32 s3, s0;
	s1 =	sshll.u32 s1, $0x11  }
0xba: {  	s0 =	sor.u32 s1, s0  }
0xbb: {  	s0 =	sadd.s32 $0x8F2B, s0  }
0xbc: {  	[sflag:s0] =	ssyncadd.remote.s32 $0x1  }
0xbd: {  	_ =	sfence.sel $0xFFFF  }
0xbe: {  	[dreg:$0x0] =	wrdreg $0xFFFFFFFF;
	(pc) =	sbr.abs _section_cstart, $3  }
0xbf: {  	[dreg:$0x1] =	wrdreg $0xFFFFFFFF  }
0xc0: {  	_ =	task.clear_ibuf [dreg:s6], $0x2FFFF;
	_ =	strace $0x9FFFFFFF  }
0xc1: {  	(tm) =	ssettm $0x7FFFFFFF  }
tec
execute0_lowered:
.L_overlay_start_1:
0x0: {  	(tag) =	ssettag $0x1  }
0x1: {  	s8 =	rddreg [dreg:$0x0];
	s1 =	stileid.u32  }
0x2: {  	s2 =	srdreg.scid;
	s0 =	rddreg [dreg:$0x1]  }
0x3: {  	_ =	strace $0x80000047;
	s5 =	simm.s32 $0x1;
	s9 =	simm.s32 $0x1  }
0x4: {  	s10 =	simm.s32 $0x3;
	s2 =	sand.u32 $0x1, s2;
	s3 =	sshll.u32 s1, $0x1  }
0x5: {  	s13 =	simm.s32 $0x0;
	s12 =	simm.s32 $0x0;
	s6 =	sor.u32 s3, s2  }
0x6: {  	[sflag:s5] =	ssyncpa.u1 $0x0;
	s2 =	sadd.s32 $0x1400, s8;
	s4 =	smul.u32 $0x320, s6  }
0x7: {  	s3 =	sadd.s32 $0x3400, s8;
	p0 =	slt.u32 s6, $0x9;
	s6 =	simm.s32 $0x6400  }
.Ltmp0:
0x8: {  	s6 =	simm.s32 @!p0 $0x0;
	s7 =	ssub.s32 $0x7D00, s4;
	(pc) =	sbr.rel .LBB2_1-.Ltmp0, $4  }
0x9: {  	s9 =	simm.s32 @!p0 $0x0;
	p0 =	sne.s32 s7, s6;
	s7 =	simm.s32 $0x1  }
0xa: {  	s8 =	sadd.s32 $0x5C00, s8;
	s6 =	simm.s32 $0x2;
	s7 =	simm.s32 @!p0 $0x0  }
0xb: {  	s11 =	smov.u32 s4;
	[sflag:s6] =	ssyncpa.u1 $0x0;
	s7 =	sadd.s32 s9, s7  }
0xc: {  	vm0 =	vmmov $0xffff;
	[sflag:s10] =	ssyncpa.u1 $0x0;
	s10 =	simm.s32 $0x0;
	s9 =	sadd.s32 $0x1, s7  }
.LBB2_4:
0xd: {  	v2 =	vnsel vm1, $0x0, v2  }
0xe: {  	vm1 =	vgt.s32 v0, $0x0;
	v2 =	vmin.u32 v2, $0x7CFF  }
0xf: {  	v0 =	vnsel vm1, $0x0, v0  }
0x10: {  	v0 =	vmin.u32 v0, $0x7CFF  }
0x11: {  	[tilespmem:s18], [sflag:$0x1] =	stream.indirect_vreg.gather [hbm4b:s2+s10], $0x1, v1, vm0, $0x4038;
	[tilespmem:$0xC80] =	vst v63  }
0x12: {  	(ifvalue) =	ssetifvalue $0x7FFFFFFF  }
0x13: {  	[tilespmem:s15], [sflag:$0x1] =	stream.indirect_vreg.gather [hbm4b:s2+s10], $0x1, v2, vm0, $0x4038;
	[tilespmem:$0xC80] =	vst v63  }
0x14: {  	s29 =	sadd.s32 $0x10, s15;
	(ifvalue) =	ssetifvalue $0x7FFFFFFF  }
0x15: {  	[tilespmem:s29], [sflag:$0x1] =	stream.indirect_vreg.gather [hbm4b:s2+s10], $0x1, v0, vm0, $0x4038;
	[tilespmem:$0xC80] =	vst v63  }
0x16: {  	_ =	swait.ge [sflag:s5], $0x320  }
0x17: {  	s30 =	sshrl.u32 s13, $0x3;
	[sflag:s5] =	ssyncset.done $0x0  }
0x18: {  	s31 =	sand.u32 $0x7, s13;
	s15 =	sadd.s32 s8, s30;
	[sflag:s5] =	ssyncadd.s32 $0xFFFFFCE0  }
0x19: {  	[hbm4b:s15+s31] =	stream.linear.scatter [tilespmem:s14], [sflag:$0x3], $0x320, $0x38;
	[tilespmem:$0xC80] =	vst v63  }
.LBB2_5:
0x1a: {  	s15 =	sadd.s32 $0x6400, s11  }
0x1b: {  	p1 =	sgt.s32 s15, $0x7CFF  }
0x1c: {  	s15 =	smov.u32 @p1 s4;
	p1 =	sne.s32 s12, s9  }
.Ltmp1:
0x1d: {  	p0 =	slt.u32 s12, $0x2;
	(pc) =	sbr.rel @!p1 .LBB2_6-.Ltmp1, $4  }
0x1e: {  	s14 =	simm.s32 @!p0 $0x3  }
0x1f: {  	_ =	swait.ge @!p0 [sflag:s14], $0x320  }
0x20: {  	s16 =	sadd.s32 $0x1, s12;
	s13 =	smov.u32 s11;
	[sflag:s14] =	ssyncset.done @!p0 $0x0  }
0x21: {  	s12 =	smov.u32 s16;
	s11 =	smov.u32 s15;
	[sflag:s14] =	ssyncadd.s32 @!p0 $0xFFFFFCE0  }
.LBB2_1:
0x22: {  	p0 =	sge.u32 s12, s7  }
0x23: {  	s14 =	sxor.u32 @!p0 $0x1, s12  }
0x24: {  	s14 =	smul.u32 @!p0 $0xC80, s14  }
0x25: {  	s31 =	sadd.s32 $0xFFFFFFFF, s12;
	s15 =	sshrl.u32 @!p0 s11, $0x3  }
0x26: {  	s16 =	sand.u32 @!p0 $0x7, s11;
	s15 =	sadd.s32 @!p0 s3, s15;
	s14 =	sshra.s32 @!p0 s14, $0x2  }
0x27: {  	[tilespmem:s14], [sflag:$0x2] =	stream.linear.gather @!p0 [hbm4b:s15+s16], $0x320, $0x38;
	[tilespmem:$0xC80] =	vst v63  }
0x28: {  	p0 =	sge.u32 s31, s7  }
.Ltmp2:
0x29: {  	_ = 	snop;
	(pc) =	sbr.rel @p0 .LBB2_5-.Ltmp2, $1  }
0x2a: {  	_ =	sdelay $0x3  }
0x2b: {  	s14 =	sand.u32 $0x1, s12  }
0x2c: {  	_ =	swait.ge [sflag:s6], $0x320;
	p0 =	seq.s32 s14, $0x1;
	s14 =	simm.s32 $0x320  }
0x2d: {  	[sflag:s6] =	ssyncset.done $0x0;
	s14 =	simm.s32 @!p0 $0x0  }
0x2e: {  	[sflag:s6] =	ssyncadd.s32 $0xFFFFFCE0;
	(ifvalue) =	ssetifvalue $0x7FFFFFFF;
	v0 =	vld.msk [tilespmem:s14+$0x0 ss:$0x1], $0xffff;
	_ =	sdelay $0x4  }
0x2f: {  	s15 =	sadd.s32 $0x10, s14;
	vm1 =	vgt.s32 v0, $0x0  }
0x30: {  	v2 =	vld.msk [tilespmem:s15+$0x0 ss:$0x1], $0xffff;
	v1 =	vnsel vm1, $0x0, v0  }
0x31: {  	v1 =	vmin.u32 v1, $0x7CFF;
	_ =	sdelay $0x2  }
0x32: {  	s17 =	simm.s32 $0x20;
	s14 =	sadd.s32 $0x640, s14;
	s16 =	sadd.s32 $0x10, s15  }
0x33: {  	s15 =	sadd.s32 $0x10, s14;
	s18 =	smov.u32 s14;
	v0 =	vld.msk [tilespmem:s16+$0x0 ss:$0x1], $0xffff;
	vm1 =	vgt.s32 v2, $0x0;
	(ifvalue) =	ssetifvalue $0x7FFFFFFF  }
.LBB2_3:
0x34: {  	[tilespmem:s18], [sflag:$0x1] =	stream.indirect_vreg.gather [hbm4b:s2+s10], $0x1, v1, vm0, $0x4038;
	[tilespmem:$0xC80] =	vst v63  }
0x35: {  	s17 =	sadd.s32 $0x10, s17  }
0x36: {  	v2 =	vnsel vm1, $0x0, v2;
	p0 =	slt.u32 s17, $0x310  }
.Ltmp3:
0x37: {  	s18 =	smov.u32 s15;
	v1 =	vmin.u32 v2, $0x7CFF;
	(pc) =	sbr.rel @p0 .LBB2_3-.Ltmp3, $3  }
0x38: {  	_ =	sdelay $0x1  }
0x39: {  	s16 =	sadd.s32 $0x10, s16  }
0x3a: {  	vm1 =	vgt.s32 v0, $0x0;
	s15 =	sadd.s32 $0x10, s15;
	v2 =	vmov v0;
	(ifvalue) =	ssetifvalue $0x7FFFFFFF;
	v0 =	vld.msk [tilespmem:s16+$0x0 ss:$0x1], $0xffff  }
.Ltmp4:
0x3b: {  	_ = 	snop;
	(pc) =	sbr.rel .LBB2_4-.Ltmp4, $1  }
0x3c: {  	_ =	sdelay $0x3  }
.LBB2_6:
0x3d: {  	_ =	sfence.sel $0x180000  }
0x3e: {  	s2 =	simm.s32 $0x2;
	[bflag:$0x0] =	sbarrier.arrive $0xFFFF  }
0x3f: {  	s30 =	simm.s32 $0x3;
	[sflag:s2] =	ssyncpa.u1 $0x1  }
0x40: {  	s31 =	simm.s32 $0x1;
	[sflag:s30] =	ssyncpa.u1 $0x1  }
0x41: {  	[sflag:s31] =	ssyncpa.u1 $0x1  }
0x42: {  	p0 =	sne.s32 s1, $0x0;
	_ =	strace $0x90000047  }
0x43: {  	s0 =	sadd.s32 @!p0 $0x100000, s0;
	[bflag:$0x2] =	sbarrier.arrive $0xFFFF  }
0x44: {  	[sflag:s0] =	ssyncadd.tile.s32 @!p0 $0x1;
	_ =	shalt  }
.Lfunc_end2:
_tile_overlayer_lowered:
.L_overlay_start_2:
0x45: {  	(tag) =	ssettag $0x2  }
0x46: {  	s0 =	rddreg [dreg:$0x0];
	s2 =	stileid.u32  }
0x47: {  	s1 =	rddreg [dreg:$0x1];
	p0 =	sne.s32 s2, $0x0  }
0x48: {  	s3 =	rddreg [dreg:$0x2];
	[bflag:$0x3] =	sbarrier.arrive $0xFFFF;
	s2 =	simm.s32 @!p0 $0x1C01  }
0x49: {  	[timem:s3], [sflag:s2] =	dma.local @!p0 [hbm:s0], s1  }
0x4a: {  	s0 =	simm.s32 @!p0 $0x1  }
0x4b: {  	_ =	swait.ge @!p0 [sflag:s0], s1  }
0x4c: {  	s1 =	ssub.s32 @!p0 $0x0, s1;
	[sflag:s0] =	ssyncset.done @!p0 $0x0  }
0x4d: {  	[sflag:s0] =	ssyncadd.s32 @!p0 s1  }
0x4e: {  	[bflag:$0x3] =	sbarrier.arrive $0xFFFF  }
0x4f: {  	_ =	shalt  }

// kernel: gather_offload_async_start.2
scs
__scs_entry_jumppad:
0x0: {  	(pc) =	sbr.rel $0x88, $3  }
0x1: {  	(tag) =	ssettag $0x0;
	lr =	simm.s32 $0x1  }
0x2: {  	[smem:$0x3F93] =	sst lr;
	_ =	strace $0xD0000000  }
0x3: {  	_ = 	snop  }
0x4: {  	_ = 	snop  }
0x5: {  	_ = 	snop  }
0x6: {  	_ = 	snop  }
0x7: {  	_ = 	snop  }
__scs_overlays_trampoline_lowered:
0x8: {  	[smem:$0x3FA2] =	sst s0  }
0x9: {  	[smem:$0x3FA3] =	sst s1  }
0xa: {  	[smem:$0x3FA4] =	sst s2  }
0xb: {  	[smem:$0x3FA5] =	sst s3  }
0xc: {  	[smem:$0x3FA6] =	sst s4  }
0xd: {  	[smem:$0x3FA7] =	sst s5  }
0xe: {  	[smem:$0x3FA8] =	sst s6  }
0xf: {  	[smem:$0x3FA9] =	sst s7  }
0x10: {  	[smem:$0x3FAA] =	sst s8  }
0x11: {  	[smem:$0x3FAB] =	sst s9;
	s0 =	simm.s32 @!p0 $0x0  }
0x12: {  	s1 =	sld [smem:$0x3F91];
	s0 =	simm.s32 @p0 $0x1  }
0x13: {  	[smem:$0x3FAC] =	sst s0;
	s0 =	simm.s32 @!p1 $0x0  }
0x14: {  	s2 =	sld [smem:$0x3F90];
	s0 =	simm.s32 @p1 $0x1  }
0x15: {  	[smem:$0x3FAD] =	sst s0;
	s0 =	simm.s32 @!p2 $0x0  }
0x16: {  	s3 =	sld [smem:$0x3FDB];
	s0 =	simm.s32 @p2 $0x1  }
0x17: {  	s4 =	simm.s32 $0x1BF5;
	[smem:$0x3FAF] =	sst s0  }
0x18: {  	s0 =	sld [smem:$0x3F92];
	_ =	swait.ge [sflag:s4], $0x0  }
0x19: {  	s7 =	sld [smem:$0x3F93]  }
0x1a: {  	s8 =	sadd.s32 $0xFFFFE003, lr  }
0x1b: {  	s9 =	sadd.s32 $0xFFFFFEF7, lr;
	s5 =	simm.s32 $0xFFFFFFFF;
	p2 =	slt.u32 s8, $0xFFFFF086  }
0x1c: {  	p1 =	slt.u32 s9, $0xF7A;
	s5 =	simm.s32 @!p2 $0x0  }
0x1d: {  	s5 =	simm.s32 @p1 $0x1;
	p0 =	seq.s32 s7, s2  }
0x1e: {  	s7 =	smul.u32 @!p0 $0xF7A, s2;
	p2 =	seq.s32 @!p0 s5, $0x0  }
0x1f: {  	s9 =	smul.u32 $0xF7A, s1;
	s8 =	simm.s32 @!p0 $0x1BF5;
	p2 =	por !p2, p0  }
0x20: {  	[sflag:s8] =	ssyncset.s32 @!p0 $0xFFFFF086;
	s6 =	sadd.s32 @!p0 s3, s7;
	s7 =	simm.s32 @!p0 $0x108  }
0x21: {  	s3 =	sadd.s32 s3, s9;
	s6 =	sadd.s32 @!p0 $0x88, s6;
	s7 =	simm.s32 @p2 $0x1082  }
0x22: {  	[simem:s7], [sflag:s8] =	dma.local @!p0 [hbm:s6], $0xF7A  }
0x23: {  	s9 =	sor.u32 $0xD0000000, s2;
	s6 =	simm.s32 $0x108;
	_ =	swait.ge @!p0 [sflag:s8], $0x0  }
0x24: {  	s3 =	sadd.s32 $0x88, s3;
	s6 =	simm.s32 @!p1 $0x1082;
	[sflag:s4] =	ssyncset.s32 $0xFFFFF086  }
0x25: {  	[simem:s6], [sflag:s4] =	dma.local [hbm:s3], $0xF7A  }
0x26: {  	[smem:$0x3F93] =	sst s1;
	(tag) =	ssettag s2;
	_ =	strace s9  }
0x27: {  	s1 =	sld [smem:$0x3FA3]  }
0x28: {  	s2 =	sld [smem:$0x3FA4]  }
0x29: {  	s4 =	sld [smem:$0x3FA6]  }
0x2a: {  	p0 =	seq.s32 s5, $0x0;
	s5 =	sld [smem:$0x3FA7]  }
0x2b: {  	s6 =	sld [smem:$0x3FA8]  }
0x2c: {  	s7 =	sld [smem:$0x3FA9]  }
0x2d: {  	s3 =	simm.s32 $0x108;
	s8 =	sld [smem:$0x3FAA]  }
0x2e: {  	s3 =	simm.s32 @!p0 $0x1082;
	s9 =	sld [smem:$0x3FAB]  }
0x2f: {  	lr =	sadd.s32 s0, s3;
	s0 =	sld [smem:$0x3FA2]  }
0x30: {  	s3 =	sld [smem:$0x3FA5]  }
0x31: {  	[smem:$0x3FAE] =	sst s10  }
0x32: {  	s10 =	sld [smem:$0x3FAC];
	_ =	sdelay $0x3  }
0x33: {  	p0 =	seq.s32 s10, $0x1;
	s10 =	sld [smem:$0x3FAE];
	_ =	sdelay $0x3  }
0x34: {  	[smem:$0x3FAE] =	sst s10  }
0x35: {  	s10 =	sld [smem:$0x3FAD];
	_ =	sdelay $0x3  }
0x36: {  	p1 =	seq.s32 s10, $0x1;
	s10 =	sld [smem:$0x3FAE];
	_ =	sdelay $0x3  }
0x37: {  	[smem:$0x3FAE] =	sst s10  }
0x38: {  	s10 =	sld [smem:$0x3FAF]  }
0x39: {  	_ = 	snop;
	(pc) =	sbr.ind lr, $3  }
0x3a: {  	_ = 	snop  }
0x3b: {  	_ = 	snop  }
0x3c: {  	p2 =	seq.s32 s10, $0x1;
	s10 =	sld [smem:$0x3FAE]  }
0x3d: {  	_ =	shalt  }
0x3e: {  	_ =	shalt  }
0x3f: {  	_ =	shalt  }
0x40: {  	_ =	shalt  }
0x41: {  	_ =	shalt  }
0x42: {  	_ =	shalt  }
0x43: {  	_ =	shalt  }
0x44: {  	_ =	shalt  }
0x45: {  	_ =	shalt  }
0x46: {  	_ =	shalt  }
0x47: {  	_ =	shalt  }
0x48: {  	_ =	shalt  }
0x49: {  	_ =	shalt  }
0x4a: {  	_ =	shalt  }
0x4b: {  	_ =	shalt  }
0x4c: {  	_ =	shalt  }
0x4d: {  	_ =	shalt  }
0x4e: {  	_ =	shalt  }
0x4f: {  	_ =	shalt  }
0x50: {  	_ =	shalt  }
0x51: {  	_ =	shalt  }
0x52: {  	_ =	shalt  }
0x53: {  	_ =	shalt  }
0x54: {  	_ =	shalt  }
0x55: {  	_ =	shalt  }
0x56: {  	_ =	shalt  }
0x57: {  	_ =	shalt  }
0x58: {  	_ =	shalt  }
0x59: {  	_ =	shalt  }
0x5a: {  	_ =	shalt  }
0x5b: {  	_ =	shalt  }
0x5c: {  	_ =	shalt  }
0x5d: {  	_ =	shalt  }
0x5e: {  	_ =	shalt  }
0x5f: {  	_ =	shalt  }
0x60: {  	_ =	shalt  }
0x61: {  	_ =	shalt  }
0x62: {  	_ =	shalt  }
0x63: {  	_ =	shalt  }
0x64: {  	_ =	shalt  }
0x65: {  	_ =	shalt  }
0x66: {  	_ =	shalt  }
0x67: {  	_ =	shalt  }
0x68: {  	_ =	shalt  }
0x69: {  	_ =	shalt  }
0x6a: {  	_ =	shalt  }
0x6b: {  	_ =	shalt  }
0x6c: {  	_ =	shalt  }
0x6d: {  	_ =	shalt  }
0x6e: {  	_ =	shalt  }
0x6f: {  	_ =	shalt  }
0x70: {  	_ =	shalt  }
0x71: {  	_ =	shalt  }
0x72: {  	_ =	shalt  }
0x73: {  	_ =	shalt  }
0x74: {  	_ =	shalt  }
0x75: {  	_ =	shalt  }
0x76: {  	_ =	shalt  }
0x77: {  	_ =	shalt  }
0x78: {  	_ =	shalt  }
0x79: {  	_ =	shalt  }
0x7a: {  	_ =	shalt  }
0x7b: {  	_ =	shalt  }
0x7c: {  	_ =	shalt  }
0x7d: {  	_ =	shalt  }
0x7e: {  	_ =	shalt  }
0x7f: {  	_ =	shalt  }
0x80: {  	_ =	shalt  }
0x81: {  	_ =	shalt  }
0x82: {  	_ =	shalt  }
0x83: {  	_ =	shalt  }
0x84: {  	_ =	shalt  }
0x85: {  	_ =	shalt  }
0x86: {  	_ =	shalt  }
0x87: {  	_ =	shalt  }
.Lfunc_end0:
.L_simem_size_0:
called_computation.2_lowered:
.L_overlay_start_0:
0x88: {  	s2 =	sld [smem:$0x3FD9]  }
0x89: {  	s3 =	sld [smem:$0x3FFE];
	_ =	sdelay $0x1  }
0x8a: {  	s1 =	srdreg.scid  }
0x8b: {  	s0 =	sand.u32 $0x1, s1  }
0x8c: {  	s17 =	sshll.u32 s0, $0xA;
	s2 =	sadd.s32 s3, s2  }
0x8d: {  	s2 =	sadd.s32 s2, s17  }
0x8e: {  	[smem:$0x3FBA] =	sst s2  }
0x8f: {  	_ = 	snop  }
0x90: {  	s2 =	sld [smem:$0x3FC7];
	(tm) =	ssettm $0x1  }
0x91: {  	s18 =	sld [smem:$0x3FFB];
	_ =	sdelay $0x3  }
0x92: {  	_ =	strace s18  }
0x93: {  	s3 =	sld [smem:$0x3FFC];
	_ =	sdelay $0x3  }
0x94: {  	_ =	strace s3  }
0x95: {  	s3 =	sld [smem:$0x3FFD];
	_ =	sdelay $0x3  }
0x96: {  	_ =	strace s3  }
0x97: {  	_ =	strace $0x8FFFFFFF  }
0x98: {  	s19 =	sld [smem:$0x3FDB];
	_ =	sdelay $0x1  }
0x99: {  	s4 =	simm.s32 $_scs_section_size  }
0x9a: {  	s5 =	simm.s32 $_size__tile_overlayer_lowered;
	s6 =	simm.s32 $_tile_overlayer_lowered  }
0x9b: {  	s22 =	simm.s32 $0x1BFF;
	s21 =	sshll.u32 s6, $0x1;
	s3 =	sadd.s32 s4, s19  }
0x9c: {  	s7 =	simm.s32 $0x0;
	s20 =	sshll.u32 s5, $0x1;
	s5 =	sadd.s32 s21, s3  }
0x9d: {  	[timem:s7], [sflag:s22] =	dma.local [hbm:s5], s20  }
0x9e: {  	_ =	swait.ge [sflag:s22], s20  }
0x9f: {  	s4 =	ssub.s32 $0x0, s20;
	[sflag:s22] =	ssyncset.done $0x0  }
0xa0: {  	[sflag:s22] =	ssyncadd.s32 s4;
	_ =	sdelay $0x1  }
0xa1: {  	s23 =	simm.s32 $0x1B8B  }
0xa2: {  	_ =	swait.ge [sflag:s23], $0x1  }
0xa3: {  	[sflag:s23] =	ssyncset.done $0x0  }
0xa4: {  	s25 =	simm.s32 $0x1B8E;
	s24 =	sld [smem:$0x3FFE];
	[sflag:s23] =	ssyncadd.s32 $0xFFFFFFFF  }
0xa5: {  	s26 =	simm.s32 $execute0_lowered;
	[smem:$0x3FD2] =	sst s25  }
0xa6: {  	s5 =	sshll.u32 s26, $0x1;
	_ =	strace $0x8000004C;
	[dreg:$0x1] =	wrdreg $0xFFFFFFFF  }
0xa7: {  	s28 =	simm.s32 $_size_execute0_lowered;
	s3 =	sadd.s32 s3, s5;
	[dreg:$0x0] =	wrdreg $0x0  }
0xa8: {  	s5 =	sshll.u32 s28, $0x1;
	[dreg:$0x2] =	wrdreg s3  }
0xa9: {  	[dreg:$0x3] =	wrdreg s5  }
0xaa: {  	[dreg:$0x4] =	wrdreg $0xC0  }
0xab: {  	_ =	task [dreg:s7], $0x5FFFF  }
0xac: {  	[dreg:$0x1] =	wrdreg $0xFFFFFFFF  }
0xad: {  	[dreg:$0x0] =	wrdreg $0x60  }
0xae: {  	[dreg:$0x2] =	wrdreg s2  }
0xaf: {  	[dreg:$0x3] =	wrdreg s24  }
0xb0: {  	[dreg:$0x4] =	wrdreg $0x9  }
0xb1: {  	_ =	task.clear_ibuf [dreg:s7], $0x5FFFF;
	_ =	strace $0x9000004C  }
0xb2: {  	s29 =	simm.s32 $0x9;
	_ =	strace $0x8000004E  }
0xb3: {  	_ =	swait.ge [sflag:s29], $0x1  }
0xb4: {  	[sflag:s29] =	ssyncadd.s32 $0xFFFFFFFF  }
0xb5: {  	_ =	strace $0x9000004E  }
0xb6: {  	_ =	sfence  }
0xb7: {  	s30 =	sld [smem:$0x0];
	_ =	sdelay $0x2  }
0xb8: {  	s31 =	sshll.u32 s1, $0xD;
	s1 =	sshrl.u32 s1, $0x2  }
0xb9: {  	s3 =	sand.u32 $0x4000, s31;
	s1 =	sadd.s32 s1, s30  }
0xba: {  	s0 =	sor.u32 s3, s0;
	s1 =	sshll.u32 s1, $0x11  }
0xbb: {  	s0 =	sor.u32 s1, s0  }
0xbc: {  	s0 =	sadd.s32 $0x8F2B, s0  }
0xbd: {  	[sflag:s0] =	ssyncadd.remote.s32 $0x1  }
0xbe: {  	_ =	sfence.sel $0xFFFF  }
0xbf: {  	[dreg:$0x0] =	wrdreg $0xFFFFFFFF;
	(pc) =	sbr.abs _section_cstart, $3  }
0xc0: {  	[dreg:$0x1] =	wrdreg $0xFFFFFFFF  }
0xc1: {  	_ =	task.clear_ibuf [dreg:s7], $0x2FFFF;
	_ =	strace $0x9FFFFFFF  }
0xc2: {  	(tm) =	ssettm $0x7FFFFFFF  }
0xc3: {  	_ =	shalt  }
tec
execute0_lowered:
.L_overlay_start_1:
0x0: {  	(tag) =	ssettag $0x1  }
0x1: {  	s2 =	rddreg [dreg:$0x0];
	s0 =	stileid.u32  }
0x2: {  	s1 =	srdreg.scid;
	s8 =	rddreg [dreg:$0x1]  }
0x3: {  	s5 =	simm.s32 $0x1;
	s9 =	simm.s32 $0x1;
	s10 =	simm.s32 $0x3  }
0x4: {  	s13 =	simm.s32 $0x0;
	s3 =	sand.u32 $0x1, s1;
	s4 =	sshll.u32 s0, $0x1  }
0x5: {  	s12 =	simm.s32 $0x0;
	s1 =	rddreg [dreg:$0x2];
	s6 =	sor.u32 s4, s3  }
0x6: {  	_ =	strace $0x8000004D;
	s3 =	sadd.s32 $0x2400, s8;
	s4 =	smul.u32 $0x320, s6  }
0x7: {  	[sflag:s5] =	ssyncpa.u1 $0x0;
	p0 =	slt.u32 s6, $0x9;
	s6 =	simm.s32 $0x6400  }
.Ltmp0:
0x8: {  	s6 =	simm.s32 @!p0 $0x0;
	s7 =	ssub.s32 $0x7D00, s4;
	(pc) =	sbr.rel .LBB2_1-.Ltmp0, $4  }
0x9: {  	s9 =	simm.s32 @!p0 $0x0;
	p0 =	sne.s32 s7, s6;
	s7 =	simm.s32 $0x1  }
0xa: {  	s8 =	sadd.s32 $0x3400, s8;
	s6 =	simm.s32 $0x2;
	s7 =	simm.s32 @!p0 $0x0  }
0xb: {  	s11 =	smov.u32 s4;
	[sflag:s6] =	ssyncpa.u1 $0x0;
	s7 =	sadd.s32 s9, s7  }
0xc: {  	vm0 =	vmmov $0xffff;
	v0 =	vimm.s32 $0x0;
	[sflag:s10] =	ssyncpa.u1 $0x0;
	s10 =	simm.s32 $0x0;
	s9 =	sadd.s32 $0x1, s7  }
.LBB2_4:
0xd: {  	vm1 =	veq.s32 v2, $0x80000000;
	v2 =	vand.u32 $0x7FFF, v2  }
0xe: {  	v4 =	vadd.s32 v5, v4;
	v2 =	vsel vm1, $0xFFFFFFFF, v2  }
0xf: {  	v3 =	vor.u32 v3, v4;
	v63 =	vsel vm1, $0xFFFF8300, v0;
	v62 =	vand.u32 $0xFFFFFF80, v2  }
0x10: {  	v2 =	vand.u32 $0x7F, v2;
	v4 =	vadd.s32 v63, v62  }
0x11: {  	v2 =	vor.u32 v2, v4  }
0x12: {  	[tilespmem:s17], [sflag:$0x1] =	stream.indirect_vreg.gather [hbm4b:s2+s10], $0x1, v1, vm0, $0x4038;
	[tilespmem:$0xC80] =	vst v63  }
0x13: {  	(ifvalue) =	ssetifvalue $0x7FFFFFFF  }
0x14: {  	[tilespmem:s15], [sflag:$0x1] =	stream.indirect_vreg.gather [hbm4b:s2+s10], $0x1, v3, vm0, $0x4038;
	[tilespmem:$0xC80] =	vst v63  }
0x15: {  	s29 =	sadd.s32 $0x10, s15;
	(ifvalue) =	ssetifvalue $0x7FFFFFFF  }
0x16: {  	[tilespmem:s29], [sflag:$0x1] =	stream.indirect_vreg.gather [hbm4b:s2+s10], $0x1, v2, vm0, $0x4038;
	[tilespmem:$0xC80] =	vst v63  }
0x17: {  	_ =	swait.ge [sflag:s5], $0x320  }
0x18: {  	s30 =	sshrl.u32 s13, $0x3;
	[sflag:s5] =	ssyncset.done $0x0  }
0x19: {  	s31 =	sand.u32 $0x7, s13;
	s15 =	sadd.s32 s8, s30;
	[sflag:s5] =	ssyncadd.s32 $0xFFFFFCE0  }
0x1a: {  	[hbm4b:s15+s31] =	stream.linear.scatter [tilespmem:s14], [sflag:$0x3], $0x320, $0x38;
	[tilespmem:$0xC80] =	vst v63  }
.LBB2_5:
0x1b: {  	s15 =	sadd.s32 $0x6400, s11  }
0x1c: {  	p1 =	sgt.s32 s15, $0x7CFF  }
0x1d: {  	s15 =	smov.u32 @p1 s4;
	p1 =	sne.s32 s12, s9  }
.Ltmp1:
0x1e: {  	p0 =	slt.u32 s12, $0x2;
	(pc) =	sbr.rel @!p1 .LBB2_6-.Ltmp1, $4  }
0x1f: {  	s14 =	simm.s32 @!p0 $0x3  }
0x20: {  	_ =	swait.ge @!p0 [sflag:s14], $0x320  }
0x21: {  	s16 =	sadd.s32 $0x1, s12;
	s13 =	smov.u32 s11;
	[sflag:s14] =	ssyncset.done @!p0 $0x0  }
0x22: {  	s12 =	smov.u32 s16;
	s11 =	smov.u32 s15;
	[sflag:s14] =	ssyncadd.s32 @!p0 $0xFFFFFCE0  }
.LBB2_1:
0x23: {  	p0 =	sge.u32 s12, s7  }
0x24: {  	s14 =	sxor.u32 @!p0 $0x1, s12  }
0x25: {  	s14 =	smul.u32 @!p0 $0xC80, s14  }
0x26: {  	s31 =	sadd.s32 $0xFFFFFFFF, s12;
	s15 =	sshrl.u32 @!p0 s11, $0x3  }
0x27: {  	s16 =	sand.u32 @!p0 $0x7, s11;
	s15 =	sadd.s32 @!p0 s3, s15;
	s14 =	sshra.s32 @!p0 s14, $0x2  }
0x28: {  	[tilespmem:s14], [sflag:$0x2] =	stream.linear.gather @!p0 [hbm4b:s15+s16], $0x320, $0x38;
	[tilespmem:$0xC80] =	vst v63  }
0x29: {  	p0 =	sge.u32 s31, s7  }
.Ltmp2:
0x2a: {  	_ = 	snop;
	(pc) =	sbr.rel @p0 .LBB2_5-.Ltmp2, $1  }
0x2b: {  	_ =	sdelay $0x3  }
0x2c: {  	s14 =	sand.u32 $0x1, s12  }
0x2d: {  	_ =	swait.ge [sflag:s6], $0x320;
	p0 =	seq.s32 s14, $0x1;
	s14 =	simm.s32 $0x320  }
0x2e: {  	[sflag:s6] =	ssyncset.done $0x0;
	s14 =	simm.s32 @!p0 $0x0  }
0x2f: {  	[sflag:s6] =	ssyncadd.s32 $0xFFFFFCE0;
	(ifvalue) =	ssetifvalue $0x7FFFFFFF;
	v1 =	vld.msk [tilespmem:s14+$0x0 ss:$0x1], $0xffff;
	_ =	sdelay $0x4  }
0x30: {  	s15 =	sadd.s32 $0x10, s14;
	vm1 =	veq.s32 v1, $0x80000000;
	v1 =	vand.u32 $0x7FFF, v1  }
0x31: {  	v2 =	vld.msk [tilespmem:s15+$0x0 ss:$0x1], $0xffff;
	v1 =	vsel vm1, $0xFFFFFFFF, v1  }
0x32: {  	v4 =	vsel vm1, $0xFFFF8300, v0;
	v3 =	vand.u32 $0xFFFFFF80, v1  }
0x33: {  	v1 =	vand.u32 $0x7F, v1;
	v3 =	vadd.s32 v4, v3  }
0x34: {  	v1 =	vor.u32 v1, v3;
	_ =	sdelay $0x1  }
0x35: {  	vm1 =	veq.s32 v2, $0x80000000;
	v4 =	vand.u32 $0x7FFF, v2  }
0x36: {  	s18 =	simm.s32 $0x20;
	s14 =	sadd.s32 $0x640, s14;
	s16 =	sadd.s32 $0x10, s15;
	v3 =	vsel vm1, $0xFFFFFFFF, v4  }
0x37: {  	s15 =	sadd.s32 $0x10, s14;
	s17 =	smov.u32 s14;
	v5 =	vsel vm1, $0xFFFF8300, v0;
	v2 =	vld.msk [tilespmem:s16+$0x0 ss:$0x1], $0xffff;
	(ifvalue) =	ssetifvalue $0x7FFFFFFF;
	v4 =	vand.u32 $0xFFFFFF80, v3;
	v3 =	vand.u32 $0x7F, v3  }
.LBB2_3:
0x38: {  	[tilespmem:s17], [sflag:$0x1] =	stream.indirect_vreg.gather [hbm4b:s2+s10], $0x1, v1, vm0, $0x4038;
	[tilespmem:$0xC80] =	vst v63  }
0x39: {  	s18 =	sadd.s32 $0x10, s18  }
0x3a: {  	v4 =	vadd.s32 v5, v4;
	p0 =	slt.u32 s18, $0x310  }
.Ltmp3:
0x3b: {  	s17 =	smov.u32 s15;
	v1 =	vor.u32 v3, v4;
	(pc) =	sbr.rel @p0 .LBB2_3-.Ltmp3, $4  }
0x3c: {  	s16 =	sadd.s32 $0x10, s16  }
0x3d: {  	vm1 =	veq.s32 v2, $0x80000000;
	v3 =	vand.u32 $0x7FFF, v2;
	v2 =	vld.msk [tilespmem:s16+$0x0 ss:$0x1], $0xffff  }
0x3e: {  	v3 =	vsel vm1, $0xFFFFFFFF, v3  }
0x3f: {  	s15 =	sadd.s32 $0x10, s15;
	v5 =	vsel vm1, $0xFFFF8300, v0;
	v4 =	vand.u32 $0xFFFFFF80, v3;
	v3 =	vand.u32 $0x7F, v3;
	(ifvalue) =	ssetifvalue $0x7FFFFFFF  }
.Ltmp4:
0x40: {  	_ = 	snop;
	(pc) =	sbr.rel .LBB2_4-.Ltmp4, $1  }
0x41: {  	_ =	sdelay $0x3  }
.LBB2_6:
0x42: {  	_ =	sfence.sel $0x180000  }
0x43: {  	s2 =	simm.s32 $0x2;
	[bflag:$0x0] =	sbarrier.arrive $0xFFFF  }
0x44: {  	s30 =	simm.s32 $0x3;
	[sflag:s2] =	ssyncpa.u1 $0x1  }
0x45: {  	s31 =	simm.s32 $0x1;
	[sflag:s30] =	ssyncpa.u1 $0x1  }
0x46: {  	[sflag:s31] =	ssyncpa.u1 $0x1  }
0x47: {  	p0 =	sne.s32 s0, $0x0;
	_ =	strace $0x9000004D  }
0x48: {  	s0 =	sadd.s32 @!p0 $0x100000, s1;
	[bflag:$0x2] =	sbarrier.arrive $0xFFFF  }
0x49: {  	[sflag:s0] =	ssyncadd.tile.s32 @!p0 $0x1;
	_ =	shalt  }
.Lfunc_end2:
_tile_overlayer_lowered:
.L_overlay_start_2:
0x4a: {  	(tag) =	ssettag $0x2  }
0x4b: {  	s0 =	rddreg [dreg:$0x0];
	s2 =	stileid.u32  }
0x4c: {  	s1 =	rddreg [dreg:$0x1];
	p0 =	sne.s32 s2, $0x0  }
0x4d: {  	s3 =	rddreg [dreg:$0x2];
	[bflag:$0x3] =	sbarrier.arrive $0xFFFF;
	s2 =	simm.s32 @!p0 $0x1C01  }
0x4e: {  	[timem:s3], [sflag:s2] =	dma.local @!p0 [hbm:s0], s1  }
0x4f: {  	s0 =	simm.s32 @!p0 $0x1  }
0x50: {  	_ =	swait.ge @!p0 [sflag:s0], s1  }
0x51: {  	s1 =	ssub.s32 @!p0 $0x0, s1;
	[sflag:s0] =	ssyncset.done @!p0 $0x0  }
0x52: {  	[sflag:s0] =	ssyncadd.s32 @!p0 s1  }
0x53: {  	[bflag:$0x3] =	sbarrier.arrive $0xFFFF  }
0x54: {  	_ =	shalt  }

// kernel: gather_offload_async_start.3
scs
__scs_entry_jumppad:
0x0: {  	(pc) =	sbr.rel $0x88, $3  }
0x1: {  	(tag) =	ssettag $0x0;
	lr =	simm.s32 $0x1  }
0x2: {  	[smem:$0x3F93] =	sst lr;
	_ =	strace $0xD0000000  }
0x3: {  	_ = 	snop  }
0x4: {  	_ = 	snop  }
0x5: {  	_ = 	snop  }
0x6: {  	_ = 	snop  }
0x7: {  	_ = 	snop  }
__scs_overlays_trampoline_lowered:
0x8: {  	[smem:$0x3FA2] =	sst s0  }
0x9: {  	[smem:$0x3FA3] =	sst s1  }
0xa: {  	[smem:$0x3FA4] =	sst s2  }
0xb: {  	[smem:$0x3FA5] =	sst s3  }
0xc: {  	[smem:$0x3FA6] =	sst s4  }
0xd: {  	[smem:$0x3FA7] =	sst s5  }
0xe: {  	[smem:$0x3FA8] =	sst s6  }
0xf: {  	[smem:$0x3FA9] =	sst s7  }
0x10: {  	[smem:$0x3FAA] =	sst s8  }
0x11: {  	[smem:$0x3FAB] =	sst s9;
	s0 =	simm.s32 @!p0 $0x0  }
0x12: {  	s1 =	sld [smem:$0x3F91];
	s0 =	simm.s32 @p0 $0x1  }
0x13: {  	[smem:$0x3FAC] =	sst s0;
	s0 =	simm.s32 @!p1 $0x0  }
0x14: {  	s2 =	sld [smem:$0x3F90];
	s0 =	simm.s32 @p1 $0x1  }
0x15: {  	[smem:$0x3FAD] =	sst s0;
	s0 =	simm.s32 @!p2 $0x0  }
0x16: {  	s3 =	sld [smem:$0x3FDB];
	s0 =	simm.s32 @p2 $0x1  }
0x17: {  	s4 =	simm.s32 $0x1BF5;
	[smem:$0x3FAF] =	sst s0  }
0x18: {  	s0 =	sld [smem:$0x3F92];
	_ =	swait.ge [sflag:s4], $0x0  }
0x19: {  	s7 =	sld [smem:$0x3F93]  }
0x1a: {  	s8 =	sadd.s32 $0xFFFFE003, lr  }
0x1b: {  	s9 =	sadd.s32 $0xFFFFFEF7, lr;
	s5 =	simm.s32 $0xFFFFFFFF;
	p2 =	slt.u32 s8, $0xFFFFF086  }
0x1c: {  	p1 =	slt.u32 s9, $0xF7A;
	s5 =	simm.s32 @!p2 $0x0  }
0x1d: {  	s5 =	simm.s32 @p1 $0x1;
	p0 =	seq.s32 s7, s2  }
0x1e: {  	s7 =	smul.u32 @!p0 $0xF7A, s2;
	p2 =	seq.s32 @!p0 s5, $0x0  }
0x1f: {  	s9 =	smul.u32 $0xF7A, s1;
	s8 =	simm.s32 @!p0 $0x1BF5;
	p2 =	por !p2, p0  }
0x20: {  	[sflag:s8] =	ssyncset.s32 @!p0 $0xFFFFF086;
	s6 =	sadd.s32 @!p0 s3, s7;
	s7 =	simm.s32 @!p0 $0x108  }
0x21: {  	s3 =	sadd.s32 s3, s9;
	s6 =	sadd.s32 @!p0 $0x88, s6;
	s7 =	simm.s32 @p2 $0x1082  }
0x22: {  	[simem:s7], [sflag:s8] =	dma.local @!p0 [hbm:s6], $0xF7A  }
0x23: {  	s9 =	sor.u32 $0xD0000000, s2;
	s6 =	simm.s32 $0x108;
	_ =	swait.ge @!p0 [sflag:s8], $0x0  }
0x24: {  	s3 =	sadd.s32 $0x88, s3;
	s6 =	simm.s32 @!p1 $0x1082;
	[sflag:s4] =	ssyncset.s32 $0xFFFFF086  }
0x25: {  	[simem:s6], [sflag:s4] =	dma.local [hbm:s3], $0xF7A  }
0x26: {  	[smem:$0x3F93] =	sst s1;
	(tag) =	ssettag s2;
	_ =	strace s9  }
0x27: {  	s1 =	sld [smem:$0x3FA3]  }
0x28: {  	s2 =	sld [smem:$0x3FA4]  }
0x29: {  	s4 =	sld [smem:$0x3FA6]  }
0x2a: {  	p0 =	seq.s32 s5, $0x0;
	s5 =	sld [smem:$0x3FA7]  }
0x2b: {  	s6 =	sld [smem:$0x3FA8]  }
0x2c: {  	s7 =	sld [smem:$0x3FA9]  }
0x2d: {  	s3 =	simm.s32 $0x108;
	s8 =	sld [smem:$0x3FAA]  }
0x2e: {  	s3 =	simm.s32 @!p0 $0x1082;
	s9 =	sld [smem:$0x3FAB]  }
0x2f: {  	lr =	sadd.s32 s0, s3;
	s0 =	sld [smem:$0x3FA2]  }
0x30: {  	s3 =	sld [smem:$0x3FA5]  }
0x31: {  	[smem:$0x3FAE] =	sst s10  }
0x32: {  	s10 =	sld [smem:$0x3FAC];
	_ =	sdelay $0x3  }
0x33: {  	p0 =	seq.s32 s10, $0x1;
	s10 =	sld [smem:$0x3FAE];
	_ =	sdelay $0x3  }
0x34: {  	[smem:$0x3FAE] =	sst s10  }
0x35: {  	s10 =	sld [smem:$0x3FAD];
	_ =	sdelay $0x3  }
0x36: {  	p1 =	seq.s32 s10, $0x1;
	s10 =	sld [smem:$0x3FAE];
	_ =	sdelay $0x3  }
0x37: {  	[smem:$0x3FAE] =	sst s10  }
0x38: {  	s10 =	sld [smem:$0x3FAF]  }
0x39: {  	_ = 	snop;
	(pc) =	sbr.ind lr, $3  }
0x3a: {  	_ = 	snop  }
0x3b: {  	_ = 	snop  }
0x3c: {  	p2 =	seq.s32 s10, $0x1;
	s10 =	sld [smem:$0x3FAE]  }
0x3d: {  	_ =	shalt  }
0x3e: {  	_ =	shalt  }
0x3f: {  	_ =	shalt  }
0x40: {  	_ =	shalt  }
0x41: {  	_ =	shalt  }
0x42: {  	_ =	shalt  }
0x43: {  	_ =	shalt  }
0x44: {  	_ =	shalt  }
0x45: {  	_ =	shalt  }
0x46: {  	_ =	shalt  }
0x47: {  	_ =	shalt  }
0x48: {  	_ =	shalt  }
0x49: {  	_ =	shalt  }
0x4a: {  	_ =	shalt  }
0x4b: {  	_ =	shalt  }
0x4c: {  	_ =	shalt  }
0x4d: {  	_ =	shalt  }
0x4e: {  	_ =	shalt  }
0x4f: {  	_ =	shalt  }
0x50: {  	_ =	shalt  }
0x51: {  	_ =	shalt  }
0x52: {  	_ =	shalt  }
0x53: {  	_ =	shalt  }
0x54: {  	_ =	shalt  }
0x55: {  	_ =	shalt  }
0x56: {  	_ =	shalt  }
0x57: {  	_ =	shalt  }
0x58: {  	_ =	shalt  }
0x59: {  	_ =	shalt  }
0x5a: {  	_ =	shalt  }
0x5b: {  	_ =	shalt  }
0x5c: {  	_ =	shalt  }
0x5d: {  	_ =	shalt  }
0x5e: {  	_ =	shalt  }
0x5f: {  	_ =	shalt  }
0x60: {  	_ =	shalt  }
0x61: {  	_ =	shalt  }
0x62: {  	_ =	shalt  }
0x63: {  	_ =	shalt  }
0x64: {  	_ =	shalt  }
0x65: {  	_ =	shalt  }
0x66: {  	_ =	shalt  }
0x67: {  	_ =	shalt  }
0x68: {  	_ =	shalt  }
0x69: {  	_ =	shalt  }
0x6a: {  	_ =	shalt  }
0x6b: {  	_ =	shalt  }
0x6c: {  	_ =	shalt  }
0x6d: {  	_ =	shalt  }
0x6e: {  	_ =	shalt  }
0x6f: {  	_ =	shalt  }
0x70: {  	_ =	shalt  }
0x71: {  	_ =	shalt  }
0x72: {  	_ =	shalt  }
0x73: {  	_ =	shalt  }
0x74: {  	_ =	shalt  }
0x75: {  	_ =	shalt  }
0x76: {  	_ =	shalt  }
0x77: {  	_ =	shalt  }
0x78: {  	_ =	shalt  }
0x79: {  	_ =	shalt  }
0x7a: {  	_ =	shalt  }
0x7b: {  	_ =	shalt  }
0x7c: {  	_ =	shalt  }
0x7d: {  	_ =	shalt  }
0x7e: {  	_ =	shalt  }
0x7f: {  	_ =	shalt  }
0x80: {  	_ =	shalt  }
0x81: {  	_ =	shalt  }
0x82: {  	_ =	shalt  }
0x83: {  	_ =	shalt  }
0x84: {  	_ =	shalt  }
0x85: {  	_ =	shalt  }
0x86: {  	_ =	shalt  }
0x87: {  	_ =	shalt  }
.Lfunc_end0:
.L_simem_size_0:
called_computation.3_lowered:
.L_overlay_start_0:
0x88: {  	s2 =	sld [smem:$0x3FD9]  }
0x89: {  	s3 =	sld [smem:$0x3FFE];
	_ =	sdelay $0x1  }
0x8a: {  	s1 =	srdreg.scid  }
0x8b: {  	s0 =	sand.u32 $0x1, s1  }
0x8c: {  	s17 =	sshll.u32 s0, $0xA;
	s2 =	sadd.s32 s3, s2  }
0x8d: {  	s2 =	sadd.s32 s2, s17  }
0x8e: {  	[smem:$0x3FBA] =	sst s2  }
0x8f: {  	_ = 	snop  }
0x90: {  	s2 =	sld [smem:$0x3FBF];
	(tm) =	ssettm $0x1  }
0x91: {  	s18 =	sld [smem:$0x3FFB];
	_ =	sdelay $0x3  }
0x92: {  	_ =	strace s18  }
0x93: {  	s3 =	sld [smem:$0x3FFC];
	_ =	sdelay $0x3  }
0x94: {  	_ =	strace s3  }
0x95: {  	s3 =	sld [smem:$0x3FFD];
	_ =	sdelay $0x3  }
0x96: {  	_ =	strace s3  }
0x97: {  	_ =	strace $0x8FFFFFFF  }
0x98: {  	s19 =	sld [smem:$0x3FDB];
	_ =	sdelay $0x1  }
0x99: {  	s4 =	simm.s32 $_scs_section_size  }
0x9a: {  	s5 =	simm.s32 $_size__tile_overlayer_lowered;
	s6 =	simm.s32 $_tile_overlayer_lowered  }
0x9b: {  	s22 =	simm.s32 $0x1BFF;
	s21 =	sshll.u32 s6, $0x1;
	s3 =	sadd.s32 s4, s19  }
0x9c: {  	s7 =	simm.s32 $0x0;
	s20 =	sshll.u32 s5, $0x1;
	s5 =	sadd.s32 s21, s3  }
0x9d: {  	[timem:s7], [sflag:s22] =	dma.local [hbm:s5], s20  }
0x9e: {  	_ =	swait.ge [sflag:s22], s20  }
0x9f: {  	s4 =	ssub.s32 $0x0, s20;
	[sflag:s22] =	ssyncset.done $0x0  }
0xa0: {  	[sflag:s22] =	ssyncadd.s32 s4;
	_ =	sdelay $0x1  }
0xa1: {  	s23 =	simm.s32 $0x1B8B  }
0xa2: {  	_ =	swait.ge [sflag:s23], $0x1  }
0xa3: {  	[sflag:s23] =	ssyncset.done $0x0  }
0xa4: {  	s25 =	simm.s32 $0x1B8E;
	s24 =	sld [smem:$0x3FFE];
	[sflag:s23] =	ssyncadd.s32 $0xFFFFFFFF  }
0xa5: {  	s26 =	simm.s32 $execute0_lowered;
	[smem:$0x3FD2] =	sst s25  }
0xa6: {  	s5 =	sshll.u32 s26, $0x1;
	_ =	strace $0x8000004F;
	[dreg:$0x1] =	wrdreg $0xFFFFFFFF  }
0xa7: {  	s28 =	simm.s32 $_size_execute0_lowered;
	s3 =	sadd.s32 s3, s5;
	[dreg:$0x0] =	wrdreg $0x0  }
0xa8: {  	s5 =	sshll.u32 s28, $0x1;
	[dreg:$0x2] =	wrdreg s3  }
0xa9: {  	[dreg:$0x3] =	wrdreg s5  }
0xaa: {  	[dreg:$0x4] =	wrdreg $0xC0  }
0xab: {  	_ =	task [dreg:s7], $0x5FFFF  }
0xac: {  	[dreg:$0x1] =	wrdreg $0xFFFFFFFF  }
0xad: {  	[dreg:$0x0] =	wrdreg $0x60  }
0xae: {  	[dreg:$0x2] =	wrdreg s2  }
0xaf: {  	[dreg:$0x3] =	wrdreg s24  }
0xb0: {  	[dreg:$0x4] =	wrdreg $0x9  }
0xb1: {  	_ =	task.clear_ibuf [dreg:s7], $0x5FFFF;
	_ =	strace $0x9000004F  }
0xb2: {  	s29 =	simm.s32 $0x9;
	_ =	strace $0x80000051  }
0xb3: {  	_ =	swait.ge [sflag:s29], $0x1  }
0xb4: {  	[sflag:s29] =	ssyncadd.s32 $0xFFFFFFFF  }
0xb5: {  	_ =	strace $0x90000051  }
0xb6: {  	_ =	sfence  }
0xb7: {  	s30 =	sld [smem:$0x0];
	_ =	sdelay $0x2  }
0xb8: {  	s31 =	sshll.u32 s1, $0xD;
	s1 =	sshrl.u32 s1, $0x2  }
0xb9: {  	s3 =	sand.u32 $0x4000, s31;
	s1 =	sadd.s32 s1, s30  }
0xba: {  	s0 =	sor.u32 s3, s0;
	s1 =	sshll.u32 s1, $0x11  }
0xbb: {  	s0 =	sor.u32 s1, s0  }
0xbc: {  	s0 =	sadd.s32 $0x8F2B, s0  }
0xbd: {  	[sflag:s0] =	ssyncadd.remote.s32 $0x1  }
0xbe: {  	_ =	sfence.sel $0xFFFF  }
0xbf: {  	[dreg:$0x0] =	wrdreg $0xFFFFFFFF;
	(pc) =	sbr.abs _section_cstart, $3  }
0xc0: {  	[dreg:$0x1] =	wrdreg $0xFFFFFFFF  }
0xc1: {  	_ =	task.clear_ibuf [dreg:s7], $0x2FFFF;
	_ =	strace $0x9FFFFFFF  }
0xc2: {  	(tm) =	ssettm $0x7FFFFFFF  }
0xc3: {  	_ =	shalt  }
tec
execute0_lowered:
.L_overlay_start_1:
0x0: {  	(tag) =	ssettag $0x1  }
0x1: {  	s1 =	srdreg.scid;
	s2 =	rddreg [dreg:$0x0]  }
0x2: {  	s0 =	stileid.u32;
	s3 =	rddreg [dreg:$0x1]  }
0x3: {  	s6 =	simm.s32 $0x1;
	s9 =	simm.s32 $0x1;
	s1 =	sshll.u32 s1, $0x6  }
0x4: {  	s10 =	simm.s32 $0x3;
	s4 =	sshll.u32 s0, $0x7;
	s5 =	sand.u32 $0x40, s1  }
0x5: {  	s13 =	simm.s32 $0x0;
	s12 =	simm.s32 $0x0;
	s4 =	sor.u32 s4, s5  }
0x6: {  	s1 =	rddreg [dreg:$0x2];
	_ =	strace $0x80000050;
	s8 =	ssub.s32 $0xA00, s4  }
.Ltmp0:
0x7: {  	s5 =	sadd.s32 $0x5600, s3;
	s7 =	sand.u32 $0x7C0, s8;
	(pc) =	sbr.rel .LBB2_1-.Ltmp0, $4  }
0x8: {  	[sflag:s6] =	ssyncpa.u1 $0x0;
	s11 =	smov.u32 s4;
	p0 =	sne.s32 s7, $0x0  }
0x9: {  	s8 =	sshrl.u32 s8, $0xB;
	s7 =	simm.s32 $0x2;
	s9 =	simm.s32 @!p0 $0x0  }
0xa: {  	[sflag:s7] =	ssyncpa.u1 $0x0;
	p0 =	por $0x0, $0x0;
	s8 =	sadd.s32 s9, s8  }
0xb: {  	vm0 =	vmmov $0xffff;
	[sflag:s10] =	ssyncpa.u1 $0x0;
	s10 =	simm.s32 $0x0;
	s9 =	sadd.s32 $0x1, s8  }
.LBB2_4:
0xc: {  	v2 =	vnsel vm1, $0x0, v2  }
0xd: {  	vm1 =	vgt.s32 v0, $0x0;
	v2 =	vmin.u32 v2, $0x9FF  }
0xe: {  	v0 =	vnsel vm1, $0x0, v0  }
0xf: {  	v0 =	vmin.u32 v0, $0x9FF  }
0x10: {  	[tilespmem:s15], [sflag:$0x1] =	stream.indirect_vreg.gather [hbm4b:s2+s10], $0x1, v1, vm0, $0x4038;
	[tilespmem:$0x100] =	vst v63  }
0x11: {  	(ifvalue) =	ssetifvalue $0x7FFFFFFF  }
0x12: {  	[tilespmem:s16], [sflag:$0x1] =	stream.indirect_vreg.gather [hbm4b:s2+s10], $0x1, v2, vm0, $0x4038;
	[tilespmem:$0x100] =	vst v63  }
0x13: {  	s29 =	sadd.s32 $0x10, s16;
	(ifvalue) =	ssetifvalue $0x7FFFFFFF  }
0x14: {  	[tilespmem:s29], [sflag:$0x1] =	stream.indirect_vreg.gather [hbm4b:s2+s10], $0x1, v0, vm0, $0x4038;
	[tilespmem:$0x100] =	vst v63  }
0x15: {  	_ =	swait.ge [sflag:s6], $0x40  }
0x16: {  	s30 =	sshrl.u32 s13, $0x3;
	[sflag:s6] =	ssyncset.done $0x0  }
0x17: {  	s31 =	sand.u32 $0x7, s13;
	s15 =	sadd.s32 s3, s30;
	[sflag:s6] =	ssyncadd.s32 $0xFFFFFFC0  }
0x18: {  	[hbm4b:s15+s31] =	stream.linear.scatter [tilespmem:s14], [sflag:$0x3], $0x40, $0x38;
	[tilespmem:$0x100] =	vst v63  }
.LBB2_5:
0x19: {  	s15 =	sadd.s32 $0x800, s11  }
0x1a: {  	p2 =	sgt.s32 s15, $0x9FF  }
0x1b: {  	s15 =	smov.u32 @p2 s4;
	p2 =	sne.s32 s12, s9  }
.Ltmp1:
0x1c: {  	p1 =	slt.u32 s12, $0x2;
	(pc) =	sbr.rel @!p2 .LBB2_6-.Ltmp1, $4  }
0x1d: {  	s14 =	simm.s32 @!p1 $0x3  }
0x1e: {  	s16 =	sadd.s32 $0x1, s12;
	_ =	swait.ge @!p1 [sflag:s14], $0x40  }
0x1f: {  	s13 =	smov.u32 s11;
	p0 =	por !p0, !p0;
	[sflag:s14] =	ssyncset.done @!p1 $0x0  }
0x20: {  	s12 =	smov.u32 s16;
	s11 =	smov.u32 s15;
	[sflag:s14] =	ssyncadd.s32 @!p1 $0xFFFFFFC0  }
.LBB2_1:
0x21: {  	p1 =	sge.u32 s12, s8  }
0x22: {  	s14 =	sxor.u32 @!p1 $0xFFFFFFFF, s12  }
0x23: {  	s31 =	sadd.s32 $0xFFFFFFFF, s12;
	s15 =	sshrl.u32 @!p1 s11, $0x3;
	s14 =	sshll.u32 @!p1 s14, $0x6  }
0x24: {  	s16 =	sand.u32 @!p1 $0x7, s11;
	s15 =	sadd.s32 @!p1 s5, s15;
	s14 =	sand.u32 @!p1 $0x40, s14  }
0x25: {  	[tilespmem:s14], [sflag:$0x2] =	stream.linear.gather @!p1 [hbm4b:s15+s16], $0x40, $0x38;
	[tilespmem:$0x100] =	vst v63  }
0x26: {  	p1 =	sge.u32 s31, s8  }
.Ltmp2:
0x27: {  	_ = 	snop;
	(pc) =	sbr.rel @p1 .LBB2_5-.Ltmp2, $1  }
0x28: {  	_ =	sdelay $0x3  }
0x29: {  	s14 =	simm.s32 $0x1  }
0x2a: {  	_ =	swait.ge [sflag:s7], $0x40;
	s14 =	simm.s32 @!p0 $0x0  }
0x2b: {  	[sflag:s7] =	ssyncset.done $0x0;
	s14 =	sshll.u32 s14, $0x6  }
0x2c: {  	[sflag:s7] =	ssyncadd.s32 $0xFFFFFFC0;
	(ifvalue) =	ssetifvalue $0x7FFFFFFF;
	v0 =	vld.msk [tilespmem:s14+$0x0 ss:$0x1], $0xffff;
	_ =	sdelay $0x4  }
0x2d: {  	s15 =	sadd.s32 $0x10, s14;
	vm1 =	vgt.s32 v0, $0x0  }
0x2e: {  	v2 =	vld.msk [tilespmem:s15+$0x0 ss:$0x1], $0xffff;
	v1 =	vnsel vm1, $0x0, v0  }
0x2f: {  	v1 =	vmin.u32 v1, $0x9FF;
	_ =	sdelay $0x1  }
0x30: {  	s16 =	sshll.u32 s12, $0x6;
	s18 =	simm.s32 $0x20  }
0x31: {  	s16 =	sand.u32 $0x40, s16;
	s17 =	sadd.s32 $0x10, s15;
	s15 =	sor.u32 $0x80, s14  }
0x32: {  	s14 =	sor.u32 $0x80, s16;
	s16 =	sadd.s32 $0x10, s15;
	v0 =	vld.msk [tilespmem:s17+$0x0 ss:$0x1], $0xffff;
	vm1 =	vgt.s32 v2, $0x0;
	(ifvalue) =	ssetifvalue $0x7FFFFFFF  }
.LBB2_3:
0x33: {  	[tilespmem:s15], [sflag:$0x1] =	stream.indirect_vreg.gather [hbm4b:s2+s10], $0x1, v1, vm0, $0x4038;
	[tilespmem:$0x100] =	vst v63  }
0x34: {  	s18 =	sadd.s32 $0x10, s18  }
0x35: {  	v2 =	vnsel vm1, $0x0, v2;
	p1 =	slt.u32 s18, $0x30  }
.Ltmp3:
0x36: {  	s15 =	smov.u32 s16;
	v1 =	vmin.u32 v2, $0x9FF;
	(pc) =	sbr.rel @p1 .LBB2_3-.Ltmp3, $3  }
0x37: {  	_ =	sdelay $0x1  }
0x38: {  	s17 =	sadd.s32 $0x10, s17  }
0x39: {  	vm1 =	vgt.s32 v0, $0x0;
	s16 =	sadd.s32 $0x10, s16;
	v2 =	vmov v0;
	(ifvalue) =	ssetifvalue $0x7FFFFFFF;
	v0 =	vld.msk [tilespmem:s17+$0x0 ss:$0x1], $0xffff  }
.Ltmp4:
0x3a: {  	_ = 	snop;
	(pc) =	sbr.rel .LBB2_4-.Ltmp4, $1  }
0x3b: {  	_ =	sdelay $0x3  }
.LBB2_6:
0x3c: {  	_ =	sfence.sel $0x180000  }
0x3d: {  	s2 =	simm.s32 $0x2;
	[bflag:$0x0] =	sbarrier.arrive $0xFFFF  }
0x3e: {  	s30 =	simm.s32 $0x3;
	[sflag:s2] =	ssyncpa.u1 $0x1  }
0x3f: {  	s31 =	simm.s32 $0x1;
	[sflag:s30] =	ssyncpa.u1 $0x1  }
0x40: {  	[sflag:s31] =	ssyncpa.u1 $0x1  }
0x41: {  	p0 =	sne.s32 s0, $0x0;
	_ =	strace $0x90000050  }
0x42: {  	s0 =	sadd.s32 @!p0 $0x100000, s1;
	[bflag:$0x2] =	sbarrier.arrive $0xFFFF  }
0x43: {  	[sflag:s0] =	ssyncadd.tile.s32 @!p0 $0x1;
	_ =	shalt  }
.Lfunc_end2:
_tile_overlayer_lowered:
.L_overlay_start_2:
0x44: {  	(tag) =	ssettag $0x2  }
0x45: {  	s0 =	rddreg [dreg:$0x0];
	s2 =	stileid.u32  }
0x46: {  	s1 =	rddreg [dreg:$0x1];
	p0 =	sne.s32 s2, $0x0  }
0x47: {  	s3 =	rddreg [dreg:$0x2];
	[bflag:$0x3] =	sbarrier.arrive $0xFFFF;
	s2 =	simm.s32 @!p0 $0x1C01  }
0x48: {  	[timem:s3], [sflag:s2] =	dma.local @!p0 [hbm:s0], s1  }
0x49: {  	s0 =	simm.s32 @!p0 $0x1  }
0x4a: {  	_ =	swait.ge @!p0 [sflag:s0], s1  }
0x4b: {  	s1 =	ssub.s32 @!p0 $0x0, s1;
	[sflag:s0] =	ssyncset.done @!p0 $0x0  }
0x4c: {  	[sflag:s0] =	ssyncadd.s32 @!p0 s1  }
0x4d: {  	[bflag:$0x3] =	sbarrier.arrive $0xFFFF  }
0x4e: {  	_ =	shalt  }

// kernel: gather_offload_async_start.4
scs
__scs_entry_jumppad:
0x0: {  	(pc) =	sbr.rel $0x88, $3  }
0x1: {  	(tag) =	ssettag $0x0;
	lr =	simm.s32 $0x1  }
0x2: {  	[smem:$0x3F93] =	sst lr;
	_ =	strace $0xD0000000  }
0x3: {  	_ = 	snop  }
0x4: {  	_ = 	snop  }
0x5: {  	_ = 	snop  }
0x6: {  	_ = 	snop  }
0x7: {  	_ = 	snop  }
__scs_overlays_trampoline_lowered:
0x8: {  	[smem:$0x3FA2] =	sst s0  }
0x9: {  	[smem:$0x3FA3] =	sst s1  }
0xa: {  	[smem:$0x3FA4] =	sst s2  }
0xb: {  	[smem:$0x3FA5] =	sst s3  }
0xc: {  	[smem:$0x3FA6] =	sst s4  }
0xd: {  	[smem:$0x3FA7] =	sst s5  }
0xe: {  	[smem:$0x3FA8] =	sst s6  }
0xf: {  	[smem:$0x3FA9] =	sst s7  }
0x10: {  	[smem:$0x3FAA] =	sst s8  }
0x11: {  	[smem:$0x3FAB] =	sst s9;
	s0 =	simm.s32 @!p0 $0x0  }
0x12: {  	s1 =	sld [smem:$0x3F91];
	s0 =	simm.s32 @p0 $0x1  }
0x13: {  	[smem:$0x3FAC] =	sst s0;
	s0 =	simm.s32 @!p1 $0x0  }
0x14: {  	s2 =	sld [smem:$0x3F90];
	s0 =	simm.s32 @p1 $0x1  }
0x15: {  	[smem:$0x3FAD] =	sst s0;
	s0 =	simm.s32 @!p2 $0x0  }
0x16: {  	s3 =	sld [smem:$0x3FDB];
	s0 =	simm.s32 @p2 $0x1  }
0x17: {  	s4 =	simm.s32 $0x1BF5;
	[smem:$0x3FAF] =	sst s0  }
0x18: {  	s0 =	sld [smem:$0x3F92];
	_ =	swait.ge [sflag:s4], $0x0  }
0x19: {  	s7 =	sld [smem:$0x3F93]  }
0x1a: {  	s8 =	sadd.s32 $0xFFFFE003, lr  }
0x1b: {  	s9 =	sadd.s32 $0xFFFFFEF7, lr;
	s5 =	simm.s32 $0xFFFFFFFF;
	p2 =	slt.u32 s8, $0xFFFFF086  }
0x1c: {  	p1 =	slt.u32 s9, $0xF7A;
	s5 =	simm.s32 @!p2 $0x0  }
0x1d: {  	s5 =	simm.s32 @p1 $0x1;
	p0 =	seq.s32 s7, s2  }
0x1e: {  	s7 =	smul.u32 @!p0 $0xF7A, s2;
	p2 =	seq.s32 @!p0 s5, $0x0  }
0x1f: {  	s9 =	smul.u32 $0xF7A, s1;
	s8 =	simm.s32 @!p0 $0x1BF5;
	p2 =	por !p2, p0  }
0x20: {  	[sflag:s8] =	ssyncset.s32 @!p0 $0xFFFFF086;
	s6 =	sadd.s32 @!p0 s3, s7;
	s7 =	simm.s32 @!p0 $0x108  }
0x21: {  	s3 =	sadd.s32 s3, s9;
	s6 =	sadd.s32 @!p0 $0x88, s6;
	s7 =	simm.s32 @p2 $0x1082  }
0x22: {  	[simem:s7], [sflag:s8] =	dma.local @!p0 [hbm:s6], $0xF7A  }
0x23: {  	s9 =	sor.u32 $0xD0000000, s2;
	s6 =	simm.s32 $0x108;
	_ =	swait.ge @!p0 [sflag:s8], $0x0  }
0x24: {  	s3 =	sadd.s32 $0x88, s3;
	s6 =	simm.s32 @!p1 $0x1082;
	[sflag:s4] =	ssyncset.s32 $0xFFFFF086  }
0x25: {  	[simem:s6], [sflag:s4] =	dma.local [hbm:s3], $0xF7A  }
0x26: {  	[smem:$0x3F93] =	sst s1;
	(tag) =	ssettag s2;
	_ =	strace s9  }
0x27: {  	s1 =	sld [smem:$0x3FA3]  }
0x28: {  	s2 =	sld [smem:$0x3FA4]  }
0x29: {  	s4 =	sld [smem:$0x3FA6]  }
0x2a: {  	p0 =	seq.s32 s5, $0x0;
	s5 =	sld [smem:$0x3FA7]  }
0x2b: {  	s6 =	sld [smem:$0x3FA8]  }
0x2c: {  	s7 =	sld [smem:$0x3FA9]  }
0x2d: {  	s3 =	simm.s32 $0x108;
	s8 =	sld [smem:$0x3FAA]  }
0x2e: {  	s3 =	simm.s32 @!p0 $0x1082;
	s9 =	sld [smem:$0x3FAB]  }
0x2f: {  	lr =	sadd.s32 s0, s3;
	s0 =	sld [smem:$0x3FA2]  }
0x30: {  	s3 =	sld [smem:$0x3FA5]  }
0x31: {  	[smem:$0x3FAE] =	sst s10  }
0x32: {  	s10 =	sld [smem:$0x3FAC];
	_ =	sdelay $0x3  }
0x33: {  	p0 =	seq.s32 s10, $0x1;
	s10 =	sld [smem:$0x3FAE];
	_ =	sdelay $0x3  }
0x34: {  	[smem:$0x3FAE] =	sst s10  }
0x35: {  	s10 =	sld [smem:$0x3FAD];
	_ =	sdelay $0x3  }
0x36: {  	p1 =	seq.s32 s10, $0x1;
	s10 =	sld [smem:$0x3FAE];
	_ =	sdelay $0x3  }
0x37: {  	[smem:$0x3FAE] =	sst s10  }
0x38: {  	s10 =	sld [smem:$0x3FAF]  }
0x39: {  	_ = 	snop;
	(pc) =	sbr.ind lr, $3  }
0x3a: {  	_ = 	snop  }
0x3b: {  	_ = 	snop  }
0x3c: {  	p2 =	seq.s32 s10, $0x1;
	s10 =	sld [smem:$0x3FAE]  }
0x3d: {  	_ =	shalt  }
0x3e: {  	_ =	shalt  }
0x3f: {  	_ =	shalt  }
0x40: {  	_ =	shalt  }
0x41: {  	_ =	shalt  }
0x42: {  	_ =	shalt  }
0x43: {  	_ =	shalt  }
0x44: {  	_ =	shalt  }
0x45: {  	_ =	shalt  }
0x46: {  	_ =	shalt  }
0x47: {  	_ =	shalt  }
0x48: {  	_ =	shalt  }
0x49: {  	_ =	shalt  }
0x4a: {  	_ =	shalt  }
0x4b: {  	_ =	shalt  }
0x4c: {  	_ =	shalt  }
0x4d: {  	_ =	shalt  }
0x4e: {  	_ =	shalt  }
0x4f: {  	_ =	shalt  }
0x50: {  	_ =	shalt  }
0x51: {  	_ =	shalt  }
0x52: {  	_ =	shalt  }
0x53: {  	_ =	shalt  }
0x54: {  	_ =	shalt  }
0x55: {  	_ =	shalt  }
0x56: {  	_ =	shalt  }
0x57: {  	_ =	shalt  }
0x58: {  	_ =	shalt  }
0x59: {  	_ =	shalt  }
0x5a: {  	_ =	shalt  }
0x5b: {  	_ =	shalt  }
0x5c: {  	_ =	shalt  }
0x5d: {  	_ =	shalt  }
0x5e: {  	_ =	shalt  }
0x5f: {  	_ =	shalt  }
0x60: {  	_ =	shalt  }
0x61: {  	_ =	shalt  }
0x62: {  	_ =	shalt  }
0x63: {  	_ =	shalt  }
0x64: {  	_ =	shalt  }
0x65: {  	_ =	shalt  }
0x66: {  	_ =	shalt  }
0x67: {  	_ =	shalt  }
0x68: {  	_ =	shalt  }
0x69: {  	_ =	shalt  }
0x6a: {  	_ =	shalt  }
0x6b: {  	_ =	shalt  }
0x6c: {  	_ =	shalt  }
0x6d: {  	_ =	shalt  }
0x6e: {  	_ =	shalt  }
0x6f: {  	_ =	shalt  }
0x70: {  	_ =	shalt  }
0x71: {  	_ =	shalt  }
0x72: {  	_ =	shalt  }
0x73: {  	_ =	shalt  }
0x74: {  	_ =	shalt  }
0x75: {  	_ =	shalt  }
0x76: {  	_ =	shalt  }
0x77: {  	_ =	shalt  }
0x78: {  	_ =	shalt  }
0x79: {  	_ =	shalt  }
0x7a: {  	_ =	shalt  }
0x7b: {  	_ =	shalt  }
0x7c: {  	_ =	shalt  }
0x7d: {  	_ =	shalt  }
0x7e: {  	_ =	shalt  }
0x7f: {  	_ =	shalt  }
0x80: {  	_ =	shalt  }
0x81: {  	_ =	shalt  }
0x82: {  	_ =	shalt  }
0x83: {  	_ =	shalt  }
0x84: {  	_ =	shalt  }
0x85: {  	_ =	shalt  }
0x86: {  	_ =	shalt  }
0x87: {  	_ =	shalt  }
.Lfunc_end0:
.L_simem_size_0:
called_computation.4_lowered:
.L_overlay_start_0:
0x88: {  	s2 =	sld [smem:$0x3FD9]  }
0x89: {  	s3 =	sld [smem:$0x3FFE];
	_ =	sdelay $0x1  }
0x8a: {  	s1 =	srdreg.scid  }
0x8b: {  	s0 =	sand.u32 $0x1, s1  }
0x8c: {  	s17 =	sshll.u32 s0, $0xA;
	s2 =	sadd.s32 s3, s2  }
0x8d: {  	s2 =	sadd.s32 s2, s17  }
0x8e: {  	[smem:$0x3FBA] =	sst s2  }
0x8f: {  	_ = 	snop  }
0x90: {  	s2 =	sld [smem:$0x3FBC];
	(tm) =	ssettm $0x1  }
0x91: {  	s18 =	sld [smem:$0x3FFB];
	_ =	sdelay $0x3  }
0x92: {  	_ =	strace s18  }
0x93: {  	s3 =	sld [smem:$0x3FFC];
	_ =	sdelay $0x3  }
0x94: {  	_ =	strace s3  }
0x95: {  	s3 =	sld [smem:$0x3FFD];
	_ =	sdelay $0x3  }
0x96: {  	_ =	strace s3  }
0x97: {  	_ =	strace $0x8FFFFFFF  }
0x98: {  	s19 =	sld [smem:$0x3FDB];
	_ =	sdelay $0x1  }
0x99: {  	s4 =	simm.s32 $_scs_section_size  }
0x9a: {  	s5 =	simm.s32 $_size__tile_overlayer_lowered;
	s6 =	simm.s32 $_tile_overlayer_lowered  }
0x9b: {  	s22 =	simm.s32 $0x1BFF;
	s21 =	sshll.u32 s6, $0x1;
	s3 =	sadd.s32 s4, s19  }
0x9c: {  	s7 =	simm.s32 $0x0;
	s20 =	sshll.u32 s5, $0x1;
	s5 =	sadd.s32 s21, s3  }
0x9d: {  	[timem:s7], [sflag:s22] =	dma.local [hbm:s5], s20  }
0x9e: {  	_ =	swait.ge [sflag:s22], s20  }
0x9f: {  	s4 =	ssub.s32 $0x0, s20;
	[sflag:s22] =	ssyncset.done $0x0  }
0xa0: {  	[sflag:s22] =	ssyncadd.s32 s4;
	_ =	sdelay $0x1  }
0xa1: {  	s23 =	simm.s32 $0x1B8B  }
0xa2: {  	_ =	swait.ge [sflag:s23], $0x1  }
0xa3: {  	[sflag:s23] =	ssyncset.done $0x0  }
0xa4: {  	s25 =	simm.s32 $0x1B8E;
	s24 =	sld [smem:$0x3FFE];
	[sflag:s23] =	ssyncadd.s32 $0xFFFFFFFF  }
0xa5: {  	s26 =	simm.s32 $execute0_lowered;
	[smem:$0x3FD2] =	sst s25  }
0xa6: {  	s5 =	sshll.u32 s26, $0x1;
	_ =	strace $0x80000052;
	[dreg:$0x1] =	wrdreg $0xFFFFFFFF  }
0xa7: {  	s28 =	simm.s32 $_size_execute0_lowered;
	s3 =	sadd.s32 s3, s5;
	[dreg:$0x0] =	wrdreg $0x0  }
0xa8: {  	s5 =	sshll.u32 s28, $0x1;
	[dreg:$0x2] =	wrdreg s3  }
0xa9: {  	[dreg:$0x3] =	wrdreg s5  }
0xaa: {  	[dreg:$0x4] =	wrdreg $0xC0  }
0xab: {  	_ =	task [dreg:s7], $0x5FFFF  }
0xac: {  	[dreg:$0x1] =	wrdreg $0xFFFFFFFF  }
0xad: {  	[dreg:$0x0] =	wrdreg $0x60  }
0xae: {  	[dreg:$0x2] =	wrdreg s2  }
0xaf: {  	[dreg:$0x3] =	wrdreg s24  }
0xb0: {  	[dreg:$0x4] =	wrdreg $0x9  }
0xb1: {  	_ =	task.clear_ibuf [dreg:s7], $0x5FFFF;
	_ =	strace $0x90000052  }
0xb2: {  	s29 =	simm.s32 $0x9;
	_ =	strace $0x80000054  }
0xb3: {  	_ =	swait.ge [sflag:s29], $0x1  }
0xb4: {  	[sflag:s29] =	ssyncadd.s32 $0xFFFFFFFF  }
0xb5: {  	_ =	strace $0x90000054  }
0xb6: {  	_ =	sfence  }
0xb7: {  	s30 =	sld [smem:$0x0];
	_ =	sdelay $0x2  }
0xb8: {  	s31 =	sshll.u32 s1, $0xD;
	s1 =	sshrl.u32 s1, $0x2  }
0xb9: {  	s3 =	sand.u32 $0x4000, s31;
	s1 =	sadd.s32 s1, s30  }
0xba: {  	s0 =	sor.u32 s3, s0;
	s1 =	sshll.u32 s1, $0x11  }
0xbb: {  	s0 =	sor.u32 s1, s0  }
0xbc: {  	s0 =	sadd.s32 $0x8F2B, s0  }
0xbd: {  	[sflag:s0] =	ssyncadd.remote.s32 $0x1  }
0xbe: {  	_ =	sfence.sel $0xFFFF  }
0xbf: {  	[dreg:$0x0] =	wrdreg $0xFFFFFFFF;
	(pc) =	sbr.abs _section_cstart, $3  }
0xc0: {  	[dreg:$0x1] =	wrdreg $0xFFFFFFFF  }
0xc1: {  	_ =	task.clear_ibuf [dreg:s7], $0x2FFFF;
	_ =	strace $0x9FFFFFFF  }
0xc2: {  	(tm) =	ssettm $0x7FFFFFFF  }
0xc3: {  	_ =	shalt  }
tec
execute0_lowered:
.L_overlay_start_1:
0x0: {  	(tag) =	ssettag $0x1  }
0x1: {  	s1 =	srdreg.scid;
	s2 =	rddreg [dreg:$0x0]  }
0x2: {  	s0 =	stileid.u32;
	s3 =	rddreg [dreg:$0x1]  }
0x3: {  	s6 =	simm.s32 $0x1;
	s9 =	simm.s32 $0x1;
	s1 =	sshll.u32 s1, $0x6  }
0x4: {  	s10 =	simm.s32 $0x3;
	s4 =	sshll.u32 s0, $0x7;
	s5 =	sand.u32 $0x40, s1  }
0x5: {  	s13 =	simm.s32 $0x0;
	s12 =	simm.s32 $0x0;
	s4 =	sor.u32 s4, s5  }
0x6: {  	s1 =	rddreg [dreg:$0x2];
	_ =	strace $0x80000053;
	s8 =	ssub.s32 $0xA00, s4  }
.Ltmp0:
0x7: {  	s5 =	sadd.s32 $0x5600, s3;
	s7 =	sand.u32 $0x7C0, s8;
	(pc) =	sbr.rel .LBB2_1-.Ltmp0, $4  }
0x8: {  	[sflag:s6] =	ssyncpa.u1 $0x0;
	s11 =	smov.u32 s4;
	p0 =	sne.s32 s7, $0x0  }
0x9: {  	s8 =	sshrl.u32 s8, $0xB;
	s7 =	simm.s32 $0x2;
	s9 =	simm.s32 @!p0 $0x0  }
0xa: {  	[sflag:s7] =	ssyncpa.u1 $0x0;
	p0 =	por $0x0, $0x0;
	s8 =	sadd.s32 s9, s8  }
0xb: {  	vm0 =	vmmov $0xffff;
	[sflag:s10] =	ssyncpa.u1 $0x0;
	s10 =	simm.s32 $0x0;
	s9 =	sadd.s32 $0x1, s8  }
.LBB2_4:
0xc: {  	v2 =	vnsel vm1, $0x0, v2  }
0xd: {  	vm1 =	vgt.s32 v0, $0x0;
	v2 =	vmin.u32 v2, $0x9FF  }
0xe: {  	v0 =	vnsel vm1, $0x0, v0  }
0xf: {  	v0 =	vmin.u32 v0, $0x9FF  }
0x10: {  	[tilespmem:s15], [sflag:$0x1] =	stream.indirect_vreg.gather [hbm4b:s2+s10], $0x1, v1, vm0, $0x4038;
	[tilespmem:$0x100] =	vst v63  }
0x11: {  	(ifvalue) =	ssetifvalue $0x7FFFFFFF  }
0x12: {  	[tilespmem:s16], [sflag:$0x1] =	stream.indirect_vreg.gather [hbm4b:s2+s10], $0x1, v2, vm0, $0x4038;
	[tilespmem:$0x100] =	vst v63  }
0x13: {  	s29 =	sadd.s32 $0x10, s16;
	(ifvalue) =	ssetifvalue $0x7FFFFFFF  }
0x14: {  	[tilespmem:s29], [sflag:$0x1] =	stream.indirect_vreg.gather [hbm4b:s2+s10], $0x1, v0, vm0, $0x4038;
	[tilespmem:$0x100] =	vst v63  }
0x15: {  	_ =	swait.ge [sflag:s6], $0x40  }
0x16: {  	s30 =	sshrl.u32 s13, $0x3;
	[sflag:s6] =	ssyncset.done $0x0  }
0x17: {  	s31 =	sand.u32 $0x7, s13;
	s15 =	sadd.s32 s3, s30;
	[sflag:s6] =	ssyncadd.s32 $0xFFFFFFC0  }
0x18: {  	[hbm4b:s15+s31] =	stream.linear.scatter [tilespmem:s14], [sflag:$0x3], $0x40, $0x38;
	[tilespmem:$0x100] =	vst v63  }
.LBB2_5:
0x19: {  	s15 =	sadd.s32 $0x800, s11  }
0x1a: {  	p2 =	sgt.s32 s15, $0x9FF  }
0x1b: {  	s15 =	smov.u32 @p2 s4;
	p2 =	sne.s32 s12, s9  }
.Ltmp1:
0x1c: {  	p1 =	slt.u32 s12, $0x2;
	(pc) =	sbr.rel @!p2 .LBB2_6-.Ltmp1, $4  }
0x1d: {  	s14 =	simm.s32 @!p1 $0x3  }
0x1e: {  	s16 =	sadd.s32 $0x1, s12;
	_ =	swait.ge @!p1 [sflag:s14], $0x40  }
0x1f: {  	s13 =	smov.u32 s11;
	p0 =	por !p0, !p0;
	[sflag:s14] =	ssyncset.done @!p1 $0x0  }
0x20: {  	s12 =	smov.u32 s16;
	s11 =	smov.u32 s15;
	[sflag:s14] =	ssyncadd.s32 @!p1 $0xFFFFFFC0  }
.LBB2_1:
0x21: {  	p1 =	sge.u32 s12, s8  }
0x22: {  	s14 =	sxor.u32 @!p1 $0xFFFFFFFF, s12  }
0x23: {  	s31 =	sadd.s32 $0xFFFFFFFF, s12;
	s15 =	sshrl.u32 @!p1 s11, $0x3;
	s14 =	sshll.u32 @!p1 s14, $0x6  }
0x24: {  	s16 =	sand.u32 @!p1 $0x7, s11;
	s15 =	sadd.s32 @!p1 s5, s15;
	s14 =	sand.u32 @!p1 $0x40, s14  }
0x25: {  	[tilespmem:s14], [sflag:$0x2] =	stream.linear.gather @!p1 [hbm4b:s15+s16], $0x40, $0x38;
	[tilespmem:$0x100] =	vst v63  }
0x26: {  	p1 =	sge.u32 s31, s8  }
.Ltmp2:
0x27: {  	_ = 	snop;
	(pc) =	sbr.rel @p1 .LBB2_5-.Ltmp2, $1  }
0x28: {  	_ =	sdelay $0x3  }
0x29: {  	s14 =	simm.s32 $0x1  }
0x2a: {  	_ =	swait.ge [sflag:s7], $0x40;
	s14 =	simm.s32 @!p0 $0x0  }
0x2b: {  	[sflag:s7] =	ssyncset.done $0x0;
	s14 =	sshll.u32 s14, $0x6  }
0x2c: {  	[sflag:s7] =	ssyncadd.s32 $0xFFFFFFC0;
	(ifvalue) =	ssetifvalue $0x7FFFFFFF;
	v0 =	vld.msk [tilespmem:s14+$0x0 ss:$0x1], $0xffff;
	_ =	sdelay $0x4  }
0x2d: {  	s15 =	sadd.s32 $0x10, s14;
	vm1 =	vgt.s32 v0, $0x0  }
0x2e: {  	v2 =	vld.msk [tilespmem:s15+$0x0 ss:$0x1], $0xffff;
	v1 =	vnsel vm1, $0x0, v0  }
0x2f: {  	v1 =	vmin.u32 v1, $0x9FF;
	_ =	sdelay $0x1  }
0x30: {  	s16 =	sshll.u32 s12, $0x6;
	s18 =	simm.s32 $0x20  }
0x31: {  	s16 =	sand.u32 $0x40, s16;
	s17 =	sadd.s32 $0x10, s15;
	s15 =	sor.u32 $0x80, s14  }
0x32: {  	s14 =	sor.u32 $0x80, s16;
	s16 =	sadd.s32 $0x10, s15;
	v0 =	vld.msk [tilespmem:s17+$0x0 ss:$0x1], $0xffff;
	vm1 =	vgt.s32 v2, $0x0;
	(ifvalue) =	ssetifvalue $0x7FFFFFFF  }
.LBB2_3:
0x33: {  	[tilespmem:s15], [sflag:$0x1] =	stream.indirect_vreg.gather [hbm4b:s2+s10], $0x1, v1, vm0, $0x4038;
	[tilespmem:$0x100] =	vst v63  }
0x34: {  	s18 =	sadd.s32 $0x10, s18  }
0x35: {  	v2 =	vnsel vm1, $0x0, v2;
	p1 =	slt.u32 s18, $0x30  }
.Ltmp3:
0x36: {  	s15 =	smov.u32 s16;
	v1 =	vmin.u32 v2, $0x9FF;
	(pc) =	sbr.rel @p1 .LBB2_3-.Ltmp3, $3  }
0x37: {  	_ =	sdelay $0x1  }
0x38: {  	s17 =	sadd.s32 $0x10, s17  }
0x39: {  	vm1 =	vgt.s32 v0, $0x0;
	s16 =	sadd.s32 $0x10, s16;
	v2 =	vmov v0;
	(ifvalue) =	ssetifvalue $0x7FFFFFFF;
	v0 =	vld.msk [tilespmem:s17+$0x0 ss:$0x1], $0xffff  }
.Ltmp4:
0x3a: {  	_ = 	snop;
	(pc) =	sbr.rel .LBB2_4-.Ltmp4, $1  }
0x3b: {  	_ =	sdelay $0x3  }
.LBB2_6:
0x3c: {  	_ =	sfence.sel $0x180000  }
0x3d: {  	s2 =	simm.s32 $0x2;
	[bflag:$0x0] =	sbarrier.arrive $0xFFFF  }
0x3e: {  	s30 =	simm.s32 $0x3;
	[sflag:s2] =	ssyncpa.u1 $0x1  }
0x3f: {  	s31 =	simm.s32 $0x1;
	[sflag:s30] =	ssyncpa.u1 $0x1  }
0x40: {  	[sflag:s31] =	ssyncpa.u1 $0x1  }
0x41: {  	p0 =	sne.s32 s0, $0x0;
	_ =	strace $0x90000053  }
0x42: {  	s0 =	sadd.s32 @!p0 $0x100000, s1;
	[bflag:$0x2] =	sbarrier.arrive $0xFFFF  }
0x43: {  	[sflag:s0] =	ssyncadd.tile.s32 @!p0 $0x1;
	_ =	shalt  }
.Lfunc_end2:
_tile_overlayer_lowered:
.L_overlay_start_2:
0x44: {  	(tag) =	ssettag $0x2  }
0x45: {  	s0 =	rddreg [dreg:$0x0];
	s2 =	stileid.u32  }
0x46: {  	s1 =	rddreg [dreg:$0x1];
	p0 =	sne.s32 s2, $0x0  }
0x47: {  	s3 =	rddreg [dreg:$0x2];
	[bflag:$0x3] =	sbarrier.arrive $0xFFFF;
	s2 =	simm.s32 @!p0 $0x1C01  }
0x48: {  	[timem:s3], [sflag:s2] =	dma.local @!p0 [hbm:s0], s1  }
0x49: {  	s0 =	simm.s32 @!p0 $0x1  }
0x4a: {  	_ =	swait.ge @!p0 [sflag:s0], s1  }
0x4b: {  	s1 =	ssub.s32 @!p0 $0x0, s1;
	[sflag:s0] =	ssyncset.done @!p0 $0x0  }
0x4c: {  	[sflag:s0] =	ssyncadd.s32 @!p0 s1  }
0x4d: {  	[bflag:$0x3] =	sbarrier.arrive $0xFFFF  }
0x4e: {  	_ =	shalt  }

// kernel: gather_offload_async_start
scs
__scs_entry_jumppad:
0x0: {  	(pc) =	sbr.rel $0x88, $3  }
0x1: {  	(tag) =	ssettag $0x0;
	lr =	simm.s32 $0x1  }
0x2: {  	[smem:$0x3F93] =	sst lr;
	_ =	strace $0xD0000000  }
0x3: {  	_ = 	snop  }
0x4: {  	_ = 	snop  }
0x5: {  	_ = 	snop  }
0x6: {  	_ = 	snop  }
0x7: {  	_ = 	snop  }
__scs_overlays_trampoline_lowered:
0x8: {  	[smem:$0x3FA2] =	sst s0  }
0x9: {  	[smem:$0x3FA3] =	sst s1  }
0xa: {  	[smem:$0x3FA4] =	sst s2  }
0xb: {  	[smem:$0x3FA5] =	sst s3  }
0xc: {  	[smem:$0x3FA6] =	sst s4  }
0xd: {  	[smem:$0x3FA7] =	sst s5  }
0xe: {  	[smem:$0x3FA8] =	sst s6  }
0xf: {  	[smem:$0x3FA9] =	sst s7  }
0x10: {  	[smem:$0x3FAA] =	sst s8  }
0x11: {  	[smem:$0x3FAB] =	sst s9;
	s0 =	simm.s32 @!p0 $0x0  }
0x12: {  	s1 =	sld [smem:$0x3F91];
	s0 =	simm.s32 @p0 $0x1  }
0x13: {  	[smem:$0x3FAC] =	sst s0;
	s0 =	simm.s32 @!p1 $0x0  }
0x14: {  	s2 =	sld [smem:$0x3F90];
	s0 =	simm.s32 @p1 $0x1  }
0x15: {  	[smem:$0x3FAD] =	sst s0;
	s0 =	simm.s32 @!p2 $0x0  }
0x16: {  	s3 =	sld [smem:$0x3FDB];
	s0 =	simm.s32 @p2 $0x1  }
0x17: {  	s4 =	simm.s32 $0x1BF5;
	[smem:$0x3FAF] =	sst s0  }
0x18: {  	s0 =	sld [smem:$0x3F92];
	_ =	swait.ge [sflag:s4], $0x0  }
0x19: {  	s7 =	sld [smem:$0x3F93]  }
0x1a: {  	s8 =	sadd.s32 $0xFFFFE003, lr  }
0x1b: {  	s9 =	sadd.s32 $0xFFFFFEF7, lr;
	s5 =	simm.s32 $0xFFFFFFFF;
	p2 =	slt.u32 s8, $0xFFFFF086  }
0x1c: {  	p1 =	slt.u32 s9, $0xF7A;
	s5 =	simm.s32 @!p2 $0x0  }
0x1d: {  	s5 =	simm.s32 @p1 $0x1;
	p0 =	seq.s32 s7, s2  }
0x1e: {  	s7 =	smul.u32 @!p0 $0xF7A, s2;
	p2 =	seq.s32 @!p0 s5, $0x0  }
0x1f: {  	s9 =	smul.u32 $0xF7A, s1;
	s8 =	simm.s32 @!p0 $0x1BF5;
	p2 =	por !p2, p0  }
0x20: {  	[sflag:s8] =	ssyncset.s32 @!p0 $0xFFFFF086;
	s6 =	sadd.s32 @!p0 s3, s7;
	s7 =	simm.s32 @!p0 $0x108  }
0x21: {  	s3 =	sadd.s32 s3, s9;
	s6 =	sadd.s32 @!p0 $0x88, s6;
	s7 =	simm.s32 @p2 $0x1082  }
0x22: {  	[simem:s7], [sflag:s8] =	dma.local @!p0 [hbm:s6], $0xF7A  }
0x23: {  	s9 =	sor.u32 $0xD0000000, s2;
	s6 =	simm.s32 $0x108;
	_ =	swait.ge @!p0 [sflag:s8], $0x0  }
0x24: {  	s3 =	sadd.s32 $0x88, s3;
	s6 =	simm.s32 @!p1 $0x1082;
	[sflag:s4] =	ssyncset.s32 $0xFFFFF086  }
0x25: {  	[simem:s6], [sflag:s4] =	dma.local [hbm:s3], $0xF7A  }
0x26: {  	[smem:$0x3F93] =	sst s1;
	(tag) =	ssettag s2;
	_ =	strace s9  }
0x27: {  	s1 =	sld [smem:$0x3FA3]  }
0x28: {  	s2 =	sld [smem:$0x3FA4]  }
0x29: {  	s4 =	sld [smem:$0x3FA6]  }
0x2a: {  	p0 =	seq.s32 s5, $0x0;
	s5 =	sld [smem:$0x3FA7]  }
0x2b: {  	s6 =	sld [smem:$0x3FA8]  }
0x2c: {  	s7 =	sld [smem:$0x3FA9]  }
0x2d: {  	s3 =	simm.s32 $0x108;
	s8 =	sld [smem:$0x3FAA]  }
0x2e: {  	s3 =	simm.s32 @!p0 $0x1082;
	s9 =	sld [smem:$0x3FAB]  }
0x2f: {  	lr =	sadd.s32 s0, s3;
	s0 =	sld [smem:$0x3FA2]  }
0x30: {  	s3 =	sld [smem:$0x3FA5]  }
0x31: {  	[smem:$0x3FAE] =	sst s10  }
0x32: {  	s10 =	sld [smem:$0x3FAC];
	_ =	sdelay $0x3  }
0x33: {  	p0 =	seq.s32 s10, $0x1;
	s10 =	sld [smem:$0x3FAE];
	_ =	sdelay $0x3  }
0x34: {  	[smem:$0x3FAE] =	sst s10  }
0x35: {  	s10 =	sld [smem:$0x3FAD];
	_ =	sdelay $0x3  }
0x36: {  	p1 =	seq.s32 s10, $0x1;
	s10 =	sld [smem:$0x3FAE];
	_ =	sdelay $0x3  }
0x37: {  	[smem:$0x3FAE] =	sst s10  }
0x38: {  	s10 =	sld [smem:$0x3FAF]  }
0x39: {  	_ = 	snop;
	(pc) =	sbr.ind lr, $3  }
0x3a: {  	_ = 	snop  }
0x3b: {  	_ = 	snop  }
0x3c: {  	p2 =	seq.s32 s10, $0x1;
	s10 =	sld [smem:$0x3FAE]  }
0x3d: {  	_ =	shalt  }
0x3e: {  	_ =	shalt  }
0x3f: {  	_ =	shalt  }
0x40: {  	_ =	shalt  }
0x41: {  	_ =	shalt  }
0x42: {  	_ =	shalt  }
0x43: {  	_ =	shalt  }
0x44: {  	_ =	shalt  }
0x45: {  	_ =	shalt  }
0x46: {  	_ =	shalt  }
0x47: {  	_ =	shalt  }
0x48: {  	_ =	shalt  }
0x49: {  	_ =	shalt  }
0x4a: {  	_ =	shalt  }
0x4b: {  	_ =	shalt  }
0x4c: {  	_ =	shalt  }
0x4d: {  	_ =	shalt  }
0x4e: {  	_ =	shalt  }
0x4f: {  	_ =	shalt  }
0x50: {  	_ =	shalt  }
0x51: {  	_ =	shalt  }
0x52: {  	_ =	shalt  }
0x53: {  	_ =	shalt  }
0x54: {  	_ =	shalt  }
0x55: {  	_ =	shalt  }
0x56: {  	_ =	shalt  }
0x57: {  	_ =	shalt  }
0x58: {  	_ =	shalt  }
0x59: {  	_ =	shalt  }
0x5a: {  	_ =	shalt  }
0x5b: {  	_ =	shalt  }
0x5c: {  	_ =	shalt  }
0x5d: {  	_ =	shalt  }
0x5e: {  	_ =	shalt  }
0x5f: {  	_ =	shalt  }
0x60: {  	_ =	shalt  }
0x61: {  	_ =	shalt  }
0x62: {  	_ =	shalt  }
0x63: {  	_ =	shalt  }
0x64: {  	_ =	shalt  }
0x65: {  	_ =	shalt  }
0x66: {  	_ =	shalt  }
0x67: {  	_ =	shalt  }
0x68: {  	_ =	shalt  }
0x69: {  	_ =	shalt  }
0x6a: {  	_ =	shalt  }
0x6b: {  	_ =	shalt  }
0x6c: {  	_ =	shalt  }
0x6d: {  	_ =	shalt  }
0x6e: {  	_ =	shalt  }
0x6f: {  	_ =	shalt  }
0x70: {  	_ =	shalt  }
0x71: {  	_ =	shalt  }
0x72: {  	_ =	shalt  }
0x73: {  	_ =	shalt  }
0x74: {  	_ =	shalt  }
0x75: {  	_ =	shalt  }
0x76: {  	_ =	shalt  }
0x77: {  	_ =	shalt  }
0x78: {  	_ =	shalt  }
0x79: {  	_ =	shalt  }
0x7a: {  	_ =	shalt  }
0x7b: {  	_ =	shalt  }
0x7c: {  	_ =	shalt  }
0x7d: {  	_ =	shalt  }
0x7e: {  	_ =	shalt  }
0x7f: {  	_ =	shalt  }
0x80: {  	_ =	shalt  }
0x81: {  	_ =	shalt  }
0x82: {  	_ =	shalt  }
0x83: {  	_ =	shalt  }
0x84: {  	_ =	shalt  }
0x85: {  	_ =	shalt  }
0x86: {  	_ =	shalt  }
0x87: {  	_ =	shalt  }
.Lfunc_end0:
.L_simem_size_0:
called_computation_lowered:
.L_overlay_start_0:
0x88: {  	s2 =	sld [smem:$0x3FD9]  }
0x89: {  	s3 =	sld [smem:$0x3FFE];
	_ =	sdelay $0x1  }
0x8a: {  	s1 =	srdreg.scid  }
0x8b: {  	s0 =	sand.u32 $0x1, s1  }
0x8c: {  	s16 =	sshll.u32 s0, $0xA;
	s2 =	sadd.s32 s3, s2  }
0x8d: {  	s2 =	sadd.s32 s2, s16  }
0x8e: {  	[smem:$0x3FBA] =	sst s2  }
0x8f: {  	_ = 	snop  }
0x90: {  	(tm) =	ssettm $0x1  }
0x91: {  	s17 =	sld [smem:$0x3FFB];
	_ =	sdelay $0x3  }
0x92: {  	_ =	strace s17  }
0x93: {  	s2 =	sld [smem:$0x3FFC];
	_ =	sdelay $0x3  }
0x94: {  	_ =	strace s2  }
0x95: {  	s2 =	sld [smem:$0x3FFD];
	_ =	sdelay $0x3  }
0x96: {  	_ =	strace s2  }
0x97: {  	_ =	strace $0x8FFFFFFF  }
0x98: {  	s18 =	sld [smem:$0x3FDB];
	_ =	sdelay $0x1  }
0x99: {  	s19 =	simm.s32 $_scs_section_size  }
0x9a: {  	s4 =	simm.s32 $_size__tile_overlayer_lowered;
	s5 =	simm.s32 $_tile_overlayer_lowered  }
0x9b: {  	s22 =	simm.s32 $0x1BFF;
	s21 =	sshll.u32 s5, $0x1;
	s2 =	sadd.s32 s19, s18  }
0x9c: {  	s6 =	simm.s32 $0x0;
	s20 =	sshll.u32 s4, $0x1;
	s4 =	sadd.s32 s21, s2  }
0x9d: {  	[timem:s6], [sflag:s22] =	dma.local [hbm:s4], s20  }
0x9e: {  	_ =	swait.ge [sflag:s22], s20  }
0x9f: {  	s3 =	ssub.s32 $0x0, s20;
	[sflag:s22] =	ssyncset.done $0x0  }
0xa0: {  	[sflag:s22] =	ssyncadd.s32 s3;
	_ =	sdelay $0x1  }
0xa1: {  	s23 =	simm.s32 $0x1B8B  }
0xa2: {  	_ =	swait.ge [sflag:s23], $0x1  }
0xa3: {  	[sflag:s23] =	ssyncset.done $0x0  }
0xa4: {  	s25 =	simm.s32 $0x1B8E;
	s24 =	sld [smem:$0x3FFE];
	[sflag:s23] =	ssyncadd.s32 $0xFFFFFFFF  }
0xa5: {  	s26 =	simm.s32 $execute0_lowered;
	[smem:$0x3FD2] =	sst s25  }
0xa6: {  	s4 =	sshll.u32 s26, $0x1;
	_ =	strace $0x80000049;
	[dreg:$0x1] =	wrdreg $0xFFFFFFFF  }
0xa7: {  	s28 =	simm.s32 $_size_execute0_lowered;
	s2 =	sadd.s32 s2, s4;
	[dreg:$0x0] =	wrdreg $0x0  }
0xa8: {  	s4 =	sshll.u32 s28, $0x1;
	[dreg:$0x2] =	wrdreg s2  }
0xa9: {  	[dreg:$0x3] =	wrdreg s4  }
0xaa: {  	[dreg:$0x4] =	wrdreg $0xC0  }
0xab: {  	_ =	task [dreg:s6], $0x5FFFF  }
0xac: {  	[dreg:$0x1] =	wrdreg $0xFFFFFFFF  }
0xad: {  	[dreg:$0x0] =	wrdreg $0x60  }
0xae: {  	[dreg:$0x2] =	wrdreg s24  }
0xaf: {  	[dreg:$0x3] =	wrdreg $0x9  }
0xb0: {  	_ =	task.clear_ibuf [dreg:s6], $0x4FFFF;
	_ =	strace $0x90000049  }
0xb1: {  	s29 =	simm.s32 $0x9;
	_ =	strace $0x8000004B  }
0xb2: {  	_ =	swait.ge [sflag:s29], $0x1  }
0xb3: {  	[sflag:s29] =	ssyncadd.s32 $0xFFFFFFFF  }
0xb4: {  	_ =	strace $0x9000004B  }
0xb5: {  	_ =	sfence  }
0xb6: {  	s30 =	sld [smem:$0x0];
	_ =	sdelay $0x2  }
0xb7: {  	s31 =	sshll.u32 s1, $0xD;
	s1 =	sshrl.u32 s1, $0x2  }
0xb8: {  	s3 =	sand.u32 $0x4000, s31;
	s1 =	sadd.s32 s1, s30  }
0xb9: {  	s0 =	sor.u32 s3, s0;
	s1 =	sshll.u32 s1, $0x11  }
0xba: {  	s0 =	sor.u32 s1, s0  }
0xbb: {  	s0 =	sadd.s32 $0x8F2B, s0  }
0xbc: {  	[sflag:s0] =	ssyncadd.remote.s32 $0x1  }
0xbd: {  	_ =	sfence.sel $0xFFFF  }
0xbe: {  	[dreg:$0x0] =	wrdreg $0xFFFFFFFF;
	(pc) =	sbr.abs _section_cstart, $3  }
0xbf: {  	[dreg:$0x1] =	wrdreg $0xFFFFFFFF  }
0xc0: {  	_ =	task.clear_ibuf [dreg:s6], $0x2FFFF;
	_ =	strace $0x9FFFFFFF  }
0xc1: {  	(tm) =	ssettm $0x7FFFFFFF  }
tec
execute0_lowered:
.L_overlay_start_1:
0x0: {  	(tag) =	ssettag $0x1  }
0x1: {  	s8 =	rddreg [dreg:$0x0];
	s1 =	stileid.u32  }
0x2: {  	s2 =	srdreg.scid;
	s0 =	rddreg [dreg:$0x1]  }
0x3: {  	_ =	strace $0x8000004A;
	s5 =	simm.s32 $0x1;
	s9 =	simm.s32 $0x1  }
0x4: {  	s10 =	simm.s32 $0x3;
	s2 =	sand.u32 $0x1, s2;
	s3 =	sshll.u32 s1, $0x1  }
0x5: {  	s13 =	simm.s32 $0x0;
	s12 =	simm.s32 $0x0;
	s6 =	sor.u32 s3, s2  }
0x6: {  	[sflag:s5] =	ssyncpa.u1 $0x0;
	s2 =	sadd.s32 $0x400, s8;
	s4 =	smul.u32 $0x320, s6  }
0x7: {  	s3 =	sadd.s32 $0x3400, s8;
	p0 =	slt.u32 s6, $0x9;
	s6 =	simm.s32 $0x6400  }
.Ltmp0:
0x8: {  	s6 =	simm.s32 @!p0 $0x0;
	s7 =	ssub.s32 $0x7D00, s4;
	(pc) =	sbr.rel .LBB2_1-.Ltmp0, $4  }
0x9: {  	s9 =	simm.s32 @!p0 $0x0;
	p0 =	sne.s32 s7, s6;
	s7 =	simm.s32 $0x1  }
0xa: {  	s8 =	sadd.s32 $0x1400, s8;
	s6 =	simm.s32 $0x2;
	s7 =	simm.s32 @!p0 $0x0  }
0xb: {  	s11 =	smov.u32 s4;
	[sflag:s6] =	ssyncpa.u1 $0x0;
	s7 =	sadd.s32 s9, s7  }
0xc: {  	vm0 =	vmmov $0xffff;
	[sflag:s10] =	ssyncpa.u1 $0x0;
	s10 =	simm.s32 $0x0;
	s9 =	sadd.s32 $0x1, s7  }
.LBB2_4:
0xd: {  	v2 =	vnsel vm1, $0x0, v2  }
0xe: {  	vm1 =	vgt.s32 v0, $0x0;
	v2 =	vmin.u32 v2, $0x7CFF  }
0xf: {  	v0 =	vnsel vm1, $0x0, v0  }
0x10: {  	v0 =	vmin.u32 v0, $0x7CFF  }
0x11: {  	[tilespmem:s18], [sflag:$0x1] =	stream.indirect_vreg.gather [hbm4b:s2+s10], $0x1, v1, vm0, $0x4038;
	[tilespmem:$0xC80] =	vst v63  }
0x12: {  	(ifvalue) =	ssetifvalue $0x7FFFFFFF  }
0x13: {  	[tilespmem:s15], [sflag:$0x1] =	stream.indirect_vreg.gather [hbm4b:s2+s10], $0x1, v2, vm0, $0x4038;
	[tilespmem:$0xC80] =	vst v63  }
0x14: {  	s29 =	sadd.s32 $0x10, s15;
	(ifvalue) =	ssetifvalue $0x7FFFFFFF  }
0x15: {  	[tilespmem:s29], [sflag:$0x1] =	stream.indirect_vreg.gather [hbm4b:s2+s10], $0x1, v0, vm0, $0x4038;
	[tilespmem:$0xC80] =	vst v63  }
0x16: {  	_ =	swait.ge [sflag:s5], $0x320  }
0x17: {  	s30 =	sshrl.u32 s13, $0x3;
	[sflag:s5] =	ssyncset.done $0x0  }
0x18: {  	s31 =	sand.u32 $0x7, s13;
	s15 =	sadd.s32 s8, s30;
	[sflag:s5] =	ssyncadd.s32 $0xFFFFFCE0  }
0x19: {  	[hbm4b:s15+s31] =	stream.linear.scatter [tilespmem:s14], [sflag:$0x3], $0x320, $0x38;
	[tilespmem:$0xC80] =	vst v63  }
.LBB2_5:
0x1a: {  	s15 =	sadd.s32 $0x6400, s11  }
0x1b: {  	p1 =	sgt.s32 s15, $0x7CFF  }
0x1c: {  	s15 =	smov.u32 @p1 s4;
	p1 =	sne.s32 s12, s9  }
.Ltmp1:
0x1d: {  	p0 =	slt.u32 s12, $0x2;
	(pc) =	sbr.rel @!p1 .LBB2_6-.Ltmp1, $4  }
0x1e: {  	s14 =	simm.s32 @!p0 $0x3  }
0x1f: {  	_ =	swait.ge @!p0 [sflag:s14], $0x320  }
0x20: {  	s16 =	sadd.s32 $0x1, s12;
	s13 =	smov.u32 s11;
	[sflag:s14] =	ssyncset.done @!p0 $0x0  }
0x21: {  	s12 =	smov.u32 s16;
	s11 =	smov.u32 s15;
	[sflag:s14] =	ssyncadd.s32 @!p0 $0xFFFFFCE0  }
.LBB2_1:
0x22: {  	p0 =	sge.u32 s12, s7  }
0x23: {  	s14 =	sxor.u32 @!p0 $0x1, s12  }
0x24: {  	s14 =	smul.u32 @!p0 $0xC80, s14  }
0x25: {  	s31 =	sadd.s32 $0xFFFFFFFF, s12;
	s15 =	sshrl.u32 @!p0 s11, $0x3  }
0x26: {  	s16 =	sand.u32 @!p0 $0x7, s11;
	s15 =	sadd.s32 @!p0 s3, s15;
	s14 =	sshra.s32 @!p0 s14, $0x2  }
0x27: {  	[tilespmem:s14], [sflag:$0x2] =	stream.linear.gather @!p0 [hbm4b:s15+s16], $0x320, $0x38;
	[tilespmem:$0xC80] =	vst v63  }
0x28: {  	p0 =	sge.u32 s31, s7  }
.Ltmp2:
0x29: {  	_ = 	snop;
	(pc) =	sbr.rel @p0 .LBB2_5-.Ltmp2, $1  }
0x2a: {  	_ =	sdelay $0x3  }
0x2b: {  	s14 =	sand.u32 $0x1, s12  }
0x2c: {  	_ =	swait.ge [sflag:s6], $0x320;
	p0 =	seq.s32 s14, $0x1;
	s14 =	simm.s32 $0x320  }
0x2d: {  	[sflag:s6] =	ssyncset.done $0x0;
	s14 =	simm.s32 @!p0 $0x0  }
0x2e: {  	[sflag:s6] =	ssyncadd.s32 $0xFFFFFCE0;
	(ifvalue) =	ssetifvalue $0x7FFFFFFF;
	v0 =	vld.msk [tilespmem:s14+$0x0 ss:$0x1], $0xffff;
	_ =	sdelay $0x4  }
0x2f: {  	s15 =	sadd.s32 $0x10, s14;
	vm1 =	vgt.s32 v0, $0x0  }
0x30: {  	v2 =	vld.msk [tilespmem:s15+$0x0 ss:$0x1], $0xffff;
	v1 =	vnsel vm1, $0x0, v0  }
0x31: {  	v1 =	vmin.u32 v1, $0x7CFF;
	_ =	sdelay $0x2  }
0x32: {  	s17 =	simm.s32 $0x20;
	s14 =	sadd.s32 $0x640, s14;
	s16 =	sadd.s32 $0x10, s15  }
0x33: {  	s15 =	sadd.s32 $0x10, s14;
	s18 =	smov.u32 s14;
	v0 =	vld.msk [tilespmem:s16+$0x0 ss:$0x1], $0xffff;
	vm1 =	vgt.s32 v2, $0x0;
	(ifvalue) =	ssetifvalue $0x7FFFFFFF  }
.LBB2_3:
0x34: {  	[tilespmem:s18], [sflag:$0x1] =	stream.indirect_vreg.gather [hbm4b:s2+s10], $0x1, v1, vm0, $0x4038;
	[tilespmem:$0xC80] =	vst v63  }
0x35: {  	s17 =	sadd.s32 $0x10, s17  }
0x36: {  	v2 =	vnsel vm1, $0x0, v2;
	p0 =	slt.u32 s17, $0x310  }
.Ltmp3:
0x37: {  	s18 =	smov.u32 s15;
	v1 =	vmin.u32 v2, $0x7CFF;
	(pc) =	sbr.rel @p0 .LBB2_3-.Ltmp3, $3  }
0x38: {  	_ =	sdelay $0x1  }
0x39: {  	s16 =	sadd.s32 $0x10, s16  }
0x3a: {  	vm1 =	vgt.s32 v0, $0x0;
	s15 =	sadd.s32 $0x10, s15;
	v2 =	vmov v0;
	(ifvalue) =	ssetifvalue $0x7FFFFFFF;
	v0 =	vld.msk [tilespmem:s16+$0x0 ss:$0x1], $0xffff  }
.Ltmp4:
0x3b: {  	_ = 	snop;
	(pc) =	sbr.rel .LBB2_4-.Ltmp4, $1  }
0x3c: {  	_ =	sdelay $0x3  }
.LBB2_6:
0x3d: {  	_ =	sfence.sel $0x180000  }
0x3e: {  	s2 =	simm.s32 $0x2;
	[bflag:$0x0] =	sbarrier.arrive $0xFFFF  }
0x3f: {  	s30 =	simm.s32 $0x3;
	[sflag:s2] =	ssyncpa.u1 $0x1  }
0x40: {  	s31 =	simm.s32 $0x1;
	[sflag:s30] =	ssyncpa.u1 $0x1  }
0x41: {  	[sflag:s31] =	ssyncpa.u1 $0x1  }
0x42: {  	p0 =	sne.s32 s1, $0x0;
	_ =	strace $0x9000004A  }
0x43: {  	s0 =	sadd.s32 @!p0 $0x100000, s0;
	[bflag:$0x2] =	sbarrier.arrive $0xFFFF  }
0x44: {  	[sflag:s0] =	ssyncadd.tile.s32 @!p0 $0x1;
	_ =	shalt  }
.Lfunc_end2:
_tile_overlayer_lowered:
.L_overlay_start_2:
0x45: {  	(tag) =	ssettag $0x2  }
0x46: {  	s0 =	rddreg [dreg:$0x0];
	s2 =	stileid.u32  }
0x47: {  	s1 =	rddreg [dreg:$0x1];
	p0 =	sne.s32 s2, $0x0  }
0x48: {  	s3 =	rddreg [dreg:$0x2];
	[bflag:$0x3] =	sbarrier.arrive $0xFFFF;
	s2 =	simm.s32 @!p0 $0x1C01  }
0x49: {  	[timem:s3], [sflag:s2] =	dma.local @!p0 [hbm:s0], s1  }
0x4a: {  	s0 =	simm.s32 @!p0 $0x1  }
0x4b: {  	_ =	swait.ge @!p0 [sflag:s0], s1  }
0x4c: {  	s1 =	ssub.s32 @!p0 $0x0, s1;
	[sflag:s0] =	ssyncset.done @!p0 $0x0  }
0x4d: {  	[sflag:s0] =	ssyncadd.s32 @!p0 s1  }
0x4e: {  	[bflag:$0x3] =	sbarrier.arrive $0xFFFF  }
0x4f: {  	_ =	shalt  }

</sc_bundles>
